<compile_context>
chip_gen: v7x
topology: tpu7x:2x2x1
jax: 0.10.2.dev20260603
libtpu: 0.0.44.dev20260713+nightly
codegen_flags: <defaults>
</compile_context>

<pallas_src>
import functools

import jax
import jax.numpy as jnp
from jax import lax
from jax.experimental import pallas as pl
from jax.experimental.pallas import tpu as pltpu
from jax.experimental.pallas import tpu_sc as plsc

_N = 10000
_E = 320000
_D = 128

_NC = 2
_NS = 16
_NW = _NC * _NS
_EPW = _E // _NW
_CH = 80
_NCHUNK = _EPW // _CH
_EPWP = _EPW
_NP = 10112
_RPT = _NP // _NS

_sc_mesh = plsc.VectorSubcoreMesh(core_axis_name="c", subcore_axis_name="s")


@functools.partial(
    pl.kernel,
    out_type=jax.ShapeDtypeStruct((_NC, _NP, _D), jnp.float32),
    mesh=_sc_mesh,
    scratch_types=[
        [pltpu.VMEM((_CH,), jnp.int32) for _ in range(4)],
        [pltpu.VMEM((_CH,), jnp.int32) for _ in range(4)],
        [pltpu.VMEM((_CH, _D), jnp.float32) for _ in range(4)],
        pltpu.VMEM_SHARED((_NP, _D), jnp.float32),
        [pltpu.SemaphoreType.DMA for _ in range(4)],
        [pltpu.SemaphoreType.DMA for _ in range(4)],
        [pltpu.SemaphoreType.DMA for _ in range(4)],
    ],
)
def _sc_aggregate(h_hbm, src_hbm, dst_hbm, zeros_hbm, out_hbm,
                  s_ring, d_ring, m_ring, acc_sh, isems, gsems, ssems):
    cid = lax.axis_index("c")
    sid = lax.axis_index("s")
    wid = sid * _NC + cid
    row_base = sid * _RPT
    ebase = wid * _EPWP

    pltpu.sync_copy(zeros_hbm, acc_sh.at[pl.ds(row_base, _RPT)])
    plsc.subcore_barrier()

    def fire_idx(c, r):
        off = ebase + c * _CH
        pltpu.async_copy(src_hbm.at[pl.ds(off, _CH)], s_ring[r], isems[r])
        pltpu.async_copy(dst_hbm.at[pl.ds(off, _CH)], d_ring[r], isems[r])

    def wait_idx(c, r):
        off = ebase + c * _CH
        pltpu.make_async_copy(src_hbm.at[pl.ds(off, _CH)], s_ring[r],
                              isems[r]).wait()
        pltpu.make_async_copy(dst_hbm.at[pl.ds(off, _CH)], d_ring[r],
                              isems[r]).wait()

    def fire_gather(r):
        pltpu.async_copy(h_hbm.at[s_ring[r]], m_ring[r], gsems[r])

    def wait_gather(r):
        pltpu.make_async_copy(h_hbm.at[s_ring[r]], m_ring[r],
                              gsems[r]).wait()

    def fire_scatter(r):
        pltpu.async_copy(m_ring[r], acc_sh.at[d_ring[r]], ssems[r], add=True)

    def wait_scatter(r):
        pltpu.make_async_copy(m_ring[r], acc_sh.at[d_ring[r]],
                              ssems[r]).wait()

    def steady(c, r):
        wait_idx(c + 1, (r + 1) % 4)
        fire_gather((r + 1) % 4)
        wait_gather(r)
        fire_scatter(r)
        wait_scatter((r + 2) % 4)
        fire_idx(c + 2, (r + 2) % 4)

    fire_idx(0, 0)
    fire_idx(1, 1)
    wait_idx(0, 0)
    fire_gather(0)
    wait_gather(0)
    fire_scatter(0)
    fire_idx(2, 2)
    wait_idx(1, 1)
    fire_gather(1)
    wait_gather(1)
    fire_scatter(1)
    fire_idx(3, 3)
    wait_idx(2, 2)
    fire_gather(2)

    def body(c, carry):
        pl.when(c % 4 == 0)(lambda: steady(c, 0))
        pl.when(c % 4 == 1)(lambda: steady(c, 1))
        pl.when(c % 4 == 2)(lambda: steady(c, 2))
        pl.when(c % 4 == 3)(lambda: steady(c, 3))
        return carry

    lax.fori_loop(2, _NCHUNK - 2, body, 0)

    wait_gather(3)
    fire_scatter(3)
    wait_scatter(1)
    wait_idx(_NCHUNK - 1, 0)
    fire_gather(0)
    wait_gather(0)
    fire_scatter(0)
    wait_scatter(2)
    wait_scatter(3)
    wait_scatter(0)
    plsc.subcore_barrier()

    pltpu.sync_copy(acc_sh.at[pl.ds(row_base, _RPT)],
                    out_hbm.at[cid, pl.ds(row_base, _RPT)])


def _tc_pre_body(x_ref, w_ref, d_ref, o_ref):
    h = jnp.dot(x_ref[...], w_ref[...], preferred_element_type=jnp.float32)
    o_ref[...] = d_ref[...] * h


def _tc_mid_body(p_ref, d_ref, b_ref, w_ref, o_ref):
    agg = p_ref[0, :_N, :] + p_ref[1, :_N, :]
    t = d_ref[...] * agg + b_ref[...]
    t = jnp.maximum(t, 0.0)
    o_ref[...] = d_ref[...] * jnp.dot(t, w_ref[...],
                                      preferred_element_type=jnp.float32)


def _tc_post_body(p_ref, d_ref, b_ref, o_ref):
    agg = p_ref[0, :_N, :] + p_ref[1, :_N, :]
    o_ref[...] = d_ref[...] * agg + b_ref[...]


def kernel(x, edge_index, deg_inv_sqrt, W1, b1, W2, b2):
    src = edge_index[0]
    dst = edge_index[1]
    deg_col = deg_inv_sqrt[:, None]
    zeros = jnp.zeros((_RPT, _D), jnp.float32)
    b1r = b1[None, :]
    b2r = b2[None, :]

    h1 = pl.pallas_call(
        _tc_pre_body,
        out_shape=jax.ShapeDtypeStruct((_N, _D), jnp.float32),
    )(x, W1, deg_col)

    p1 = _sc_aggregate(h1, src, dst, zeros)

    h2 = pl.pallas_call(
        _tc_mid_body,
        out_shape=jax.ShapeDtypeStruct((_N, _D), jnp.float32),
    )(p1, deg_col, b1r, W2)

    p2 = _sc_aggregate(h2, src, dst, zeros)

    out = pl.pallas_call(
        _tc_post_body,
        out_shape=jax.ShapeDtypeStruct((_N, _D), jnp.float32),
    )(p2, deg_col, b2r)

    return out

# --- scband reference (transcript-rebuilt; emitter-appended) ---
"""Pipeline reference for scband-distributed-gcn-4440996184260 (READ-ONLY COPY).

The authoritative reference and input builder live on the scoring server;
editing this copy changes nothing except your own understanding.
"""

import jax, jax.numpy as jnp
import numpy as np

N = 10000
E = 320000
D_IN = 128
D_HID = 128
D_OUT = 128


def _xavier_uniform(key, shape):
    fan_in, fan_out = shape
    a = float(np.sqrt(6.0 / (fan_in + fan_out)))
    return jax.random.uniform(key, shape, minval=-a, maxval=a, dtype=jnp.float32)


def setup_inputs(seed: int = 0) -> dict:
    key = jax.random.key(seed)
    ks = jax.random.split(key, 6)
    x = jax.random.normal(ks[0], (N, D_IN), dtype=jnp.float32)
    edge_index = jax.random.randint(ks[1], (2, E), 0, N, dtype=jnp.int32)
    # deg_inv_sqrt is a positive normalization vector D^{-1/2}
    deg_inv_sqrt = jax.random.uniform(ks[2], (N,), minval=0.1, maxval=1.0, dtype=jnp.float32)
    W1 = _xavier_uniform(ks[3], (D_IN, D_HID))
    b1 = jnp.zeros((D_HID,), dtype=jnp.float32)
    W2 = _xavier_uniform(ks[4], (D_HID, D_OUT))
    b2 = jnp.zeros((D_OUT,), dtype=jnp.float32)
    return {"x": x, "edge_index": edge_index, "deg_inv_sqrt": deg_inv_sqrt,
            "W1": W1, "b1": b1, "W2": W2, "b2": b2}


def _gcn_conv(x, edge_index, deg_inv_sqrt, W, b):
    # h = x @ W
    h = x @ W
    # h = D^{-1/2} h
    h = deg_inv_sqrt[:, None] * h
    # out = A @ h  (sparse matvec via gather + scatter-add / segment_sum)
    src = edge_index[0]
    dst = edge_index[1]
    msgs = jnp.take(h, src, axis=0)
    agg = jax.ops.segment_sum(msgs, dst, num_segments=N)
    # out[:num_owned] * D^{-1/2}[:num_owned]; single partition -> num_owned == N
    out = agg * deg_inv_sqrt[:, None]
    out = out + b
    return out


def reference(x, edge_index, deg_inv_sqrt, W1, b1, W2, b2):
    # Layer 1 (DistributedGCNConv) + ReLU; dropout is identity in eval mode
    h = _gcn_conv(x, edge_index, deg_inv_sqrt, W1, b1)
    h = jax.nn.relu(h)
    # x buffer rebuilt with owned rows; num_owned == N so it is just h
    # Layer 2 (final DistributedGCNConv)
    out = _gcn_conv(h, edge_index, deg_inv_sqrt, W2, b2)
    return out

if __name__ == "__main__":
    import jax
    _d = setup_inputs()
    print(jax.jit(kernel)(*tuple(_d.values())))

</pallas_src>

<mosaic_0001>
#map = affine_map<(d0, d1) -> (0, 0)>
#map1 = affine_map<(d0, d1) -> (0)>
#map2 = affine_map<(d0, d1) -> (0, 0, 0)>
module attributes {stable_mosaic.version = 14 : i64} {
  func.func @_sc_aggregate(%arg0: i32, %arg1: i32, %arg2: memref<10000x128xf32, #tpu.memory_space<hbm>>, %arg3: memref<320000xi32, #tpu.memory_space<hbm>>, %arg4: memref<320000xi32, #tpu.memory_space<hbm>>, %arg5: memref<632x128xf32, #tpu.memory_space<hbm>>, %arg6: memref<2x10112x128xf32, #tpu.memory_space<hbm>>, %arg7: memref<80xi32, #tpu.memory_space<vmem>>, %arg8: memref<80xi32, #tpu.memory_space<vmem>>, %arg9: memref<80xi32, #tpu.memory_space<vmem>>, %arg10: memref<80xi32, #tpu.memory_space<vmem>>, %arg11: memref<80xi32, #tpu.memory_space<vmem>>, %arg12: memref<80xi32, #tpu.memory_space<vmem>>, %arg13: memref<80xi32, #tpu.memory_space<vmem>>, %arg14: memref<80xi32, #tpu.memory_space<vmem>>, %arg15: memref<80x128xf32, #tpu.memory_space<vmem>>, %arg16: memref<80x128xf32, #tpu.memory_space<vmem>>, %arg17: memref<80x128xf32, #tpu.memory_space<vmem>>, %arg18: memref<80x128xf32, #tpu.memory_space<vmem>>, %arg19: memref<10112x128xf32, #tpu.memory_space<vmem_shared>>, %arg20: memref<!tpu.dma_semaphore, #tpu.memory_space<semaphore_mem>>, %arg21: memref<!tpu.dma_semaphore, #tpu.memory_space<semaphore_mem>>, %arg22: memref<!tpu.dma_semaphore, #tpu.memory_space<semaphore_mem>>, %arg23: memref<!tpu.dma_semaphore, #tpu.memory_space<semaphore_mem>>, %arg24: memref<!tpu.dma_semaphore, #tpu.memory_space<semaphore_mem>>, %arg25: memref<!tpu.dma_semaphore, #tpu.memory_space<semaphore_mem>>, %arg26: memref<!tpu.dma_semaphore, #tpu.memory_space<semaphore_mem>>, %arg27: memref<!tpu.dma_semaphore, #tpu.memory_space<semaphore_mem>>, %arg28: memref<!tpu.dma_semaphore, #tpu.memory_space<semaphore_mem>>, %arg29: memref<!tpu.dma_semaphore, #tpu.memory_space<semaphore_mem>>, %arg30: memref<!tpu.dma_semaphore, #tpu.memory_space<semaphore_mem>>, %arg31: memref<!tpu.dma_semaphore, #tpu.memory_space<semaphore_mem>>) attributes {dimension_semantics = [#tpu.dimension_semantics<core_parallel>, #tpu.dimension_semantics<subcore_parallel>], iteration_bounds = array<i64: 2, 16>, scalar_prefetch = 0 : i64, scratch_operands = 25 : i64, tpu.core_type = #tpu.core_type<sc_vector_subcore>, window_params = [{transform_indices = #map}, {transform_indices = #map1}, {transform_indices = #map1}, {transform_indices = #map}, {transform_indices = #map2}]} {
    %mul3A = arith.constant 2 : i32
    %mul3A_0 = arith.muli %arg1, %mul3A : i32
    %add3A = arith.addi %mul3A_0, %arg0 : i32
    %mul3A_1 = arith.constant 632 : i32
    %mul3A_2 = arith.muli %arg1, %mul3A_1 : i32
    %mul3A_3 = arith.constant 10000 : i32
    %mul3A_4 = arith.muli %add3A, %mul3A_3 : i32
    "tpu.region"() ({
      %run_scoped3A = tpu.sem_alloc : memref<!tpu.dma_semaphore, #tpu.memory_space<semaphore_mem>>
      %dma_start3A_105 = arith.constant 0 : i32
      %dma_start3A_106 = tpu.memref_slice %arg19[%mul3A_2, %dma_start3A_105] : memref<10112x128xf32, #tpu.memory_space<vmem_shared>> -> memref<632x128xf32, #tpu.memory_space<vmem_shared>>
      tpu.enqueue_dma source(%arg5 : memref<632x128xf32, #tpu.memory_space<hbm>>) target(%dma_start3A_106 : memref<632x128xf32, #tpu.memory_space<vmem_shared>>) target_semaphore(%run_scoped3A : memref<!tpu.dma_semaphore, #tpu.memory_space<semaphore_mem>>)
      %dma_wait3A_107 = arith.constant 0 : i32
      %dma_wait3A_108 = tpu.memref_slice %arg19[%mul3A_2, %dma_wait3A_107] : memref<10112x128xf32, #tpu.memory_space<vmem_shared>> -> memref<632x128xf32, #tpu.memory_space<vmem_shared>>
      tpu.wait_dma2 semaphore(%run_scoped3A : memref<!tpu.dma_semaphore, #tpu.memory_space<semaphore_mem>>) src(%arg5 : memref<632x128xf32, #tpu.memory_space<hbm>>) dst(%dma_wait3A_108 : memref<632x128xf32, #tpu.memory_space<vmem_shared>>)
      tpu.yield
    }) : () -> ()
    %barrier3A = arith.constant 0 : index
    tpu.barrier barrier_id(%barrier3A)
    %add3A_5 = arith.constant 0 : i32
    %add3A_6 = arith.addi %mul3A_4, %add3A_5 : i32
    %dma_start3A = tpu.memref_slice %arg3[%add3A_6] : memref<320000xi32, #tpu.memory_space<hbm>> -> memref<80xi32, #tpu.memory_space<hbm>>
    %dma_start3A_7 = tpu.memref_slice %arg3[%add3A_6] : memref<320000xi32, #tpu.memory_space<hbm>> -> memref<80xi32, #tpu.memory_space<hbm>>
    tpu.enqueue_dma source(%dma_start3A_7 : memref<80xi32, #tpu.memory_space<hbm>>) target(%arg7 : memref<80xi32, #tpu.memory_space<vmem>>) target_semaphore(%arg20 : memref<!tpu.dma_semaphore, #tpu.memory_space<semaphore_mem>>)
    %dma_start3A_8 = tpu.memref_slice %arg4[%add3A_6] : memref<320000xi32, #tpu.memory_space<hbm>> -> memref<80xi32, #tpu.memory_space<hbm>>
    %dma_start3A_9 = tpu.memref_slice %arg4[%add3A_6] : memref<320000xi32, #tpu.memory_space<hbm>> -> memref<80xi32, #tpu.memory_space<hbm>>
    tpu.enqueue_dma source(%dma_start3A_9 : memref<80xi32, #tpu.memory_space<hbm>>) target(%arg11 : memref<80xi32, #tpu.memory_space<vmem>>) target_semaphore(%arg20 : memref<!tpu.dma_semaphore, #tpu.memory_space<semaphore_mem>>)
    %add3A_10 = arith.constant 80 : i32
    %add3A_11 = arith.addi %mul3A_4, %add3A_10 : i32
    %dma_start3A_12 = tpu.memref_slice %arg3[%add3A_11] : memref<320000xi32, #tpu.memory_space<hbm>> -> memref<80xi32, #tpu.memory_space<hbm>>
    %dma_start3A_13 = tpu.memref_slice %arg3[%add3A_11] : memref<320000xi32, #tpu.memory_space<hbm>> -> memref<80xi32, #tpu.memory_space<hbm>>
    tpu.enqueue_dma source(%dma_start3A_13 : memref<80xi32, #tpu.memory_space<hbm>>) target(%arg8 : memref<80xi32, #tpu.memory_space<vmem>>) target_semaphore(%arg21 : memref<!tpu.dma_semaphore, #tpu.memory_space<semaphore_mem>>)
    %dma_start3A_14 = tpu.memref_slice %arg4[%add3A_11] : memref<320000xi32, #tpu.memory_space<hbm>> -> memref<80xi32, #tpu.memory_space<hbm>>
    %dma_start3A_15 = tpu.memref_slice %arg4[%add3A_11] : memref<320000xi32, #tpu.memory_space<hbm>> -> memref<80xi32, #tpu.memory_space<hbm>>
    tpu.enqueue_dma source(%dma_start3A_15 : memref<80xi32, #tpu.memory_space<hbm>>) target(%arg12 : memref<80xi32, #tpu.memory_space<vmem>>) target_semaphore(%arg21 : memref<!tpu.dma_semaphore, #tpu.memory_space<semaphore_mem>>)
    %add3A_16 = arith.constant 0 : i32
    %add3A_17 = arith.addi %mul3A_4, %add3A_16 : i32
    %dma_wait3A = tpu.memref_slice %arg3[%add3A_17] : memref<320000xi32, #tpu.memory_space<hbm>> -> memref<80xi32, #tpu.memory_space<hbm>>
    %dma_wait3A_18 = tpu.memref_slice %arg3[%add3A_17] : memref<320000xi32, #tpu.memory_space<hbm>> -> memref<80xi32, #tpu.memory_space<hbm>>
    tpu.wait_dma2 semaphore(%arg20 : memref<!tpu.dma_semaphore, #tpu.memory_space<semaphore_mem>>) src(%dma_wait3A_18 : memref<80xi32, #tpu.memory_space<hbm>>) dst(%arg7 : memref<80xi32, #tpu.memory_space<vmem>>)
    %dma_wait3A_19 = tpu.memref_slice %arg4[%add3A_17] : memref<320000xi32, #tpu.memory_space<hbm>> -> memref<80xi32, #tpu.memory_space<hbm>>
    %dma_wait3A_20 = tpu.memref_slice %arg4[%add3A_17] : memref<320000xi32, #tpu.memory_space<hbm>> -> memref<80xi32, #tpu.memory_space<hbm>>
    tpu.wait_dma2 semaphore(%arg20 : memref<!tpu.dma_semaphore, #tpu.memory_space<semaphore_mem>>) src(%dma_wait3A_20 : memref<80xi32, #tpu.memory_space<hbm>>) dst(%arg11 : memref<80xi32, #tpu.memory_space<vmem>>)
    %dma_start3A_21 = arith.constant 0 : i32
    %dma_start3A_22 = arith.constant 0 : i32
    %dma_start3A_23 = tpu.memref_slice %arg2[%dma_start3A_21, %dma_start3A_22] : memref<10000x128xf32, #tpu.memory_space<hbm>> -> memref<10000x128xf32, #tpu.memory_space<hbm>>
    tpu.enqueue_indirect_dma source(%dma_start3A_23 : memref<10000x128xf32, #tpu.memory_space<hbm>>) target(%arg15 : memref<80x128xf32, #tpu.memory_space<vmem>>) offsets(%arg7 : memref<80xi32, #tpu.memory_space<vmem>>) semaphore(%arg24 : memref<!tpu.dma_semaphore, #tpu.memory_space<semaphore_mem>>)
    %dma_wait3A_24 = arith.constant 0 : i32
    %dma_wait3A_25 = arith.constant 0 : i32
    %dma_wait3A_26 = tpu.memref_slice %arg2[%dma_wait3A_24, %dma_wait3A_25] : memref<10000x128xf32, #tpu.memory_space<hbm>> -> memref<10000x128xf32, #tpu.memory_space<hbm>>
    tpu.wait_indirect_dma semaphore(%arg24 : memref<!tpu.dma_semaphore, #tpu.memory_space<semaphore_mem>>) src(%dma_wait3A_26 : memref<10000x128xf32, #tpu.memory_space<hbm>>) dst(%arg15 : memref<80x128xf32, #tpu.memory_space<vmem>>)
    %dma_start3A_27 = arith.constant 0 : i32
    %dma_start3A_28 = arith.constant 0 : i32
    %dma_start3A_29 = tpu.memref_slice %arg19[%dma_start3A_27, %dma_start3A_28] : memref<10112x128xf32, #tpu.memory_space<vmem_shared>> -> memref<10112x128xf32, #tpu.memory_space<vmem_shared>>
    tpu.enqueue_indirect_dma source(%arg15 : memref<80x128xf32, #tpu.memory_space<vmem>>) target(%dma_start3A_29 : memref<10112x128xf32, #tpu.memory_space<vmem_shared>>) offsets(%arg11 : memref<80xi32, #tpu.memory_space<vmem>>) semaphore(%arg28 : memref<!tpu.dma_semaphore, #tpu.memory_space<semaphore_mem>>) {add = true}
    %add3A_30 = arith.constant 160 : i32
    %add3A_31 = arith.addi %mul3A_4, %add3A_30 : i32
    %dma_start3A_32 = tpu.memref_slice %arg3[%add3A_31] : memref<320000xi32, #tpu.memory_space<hbm>> -> memref<80xi32, #tpu.memory_space<hbm>>
    %dma_start3A_33 = tpu.memref_slice %arg3[%add3A_31] : memref<320000xi32, #tpu.memory_space<hbm>> -> memref<80xi32, #tpu.memory_space<hbm>>
    tpu.enqueue_dma source(%dma_start3A_33 : memref<80xi32, #tpu.memory_space<hbm>>) target(%arg9 : memref<80xi32, #tpu.memory_space<vmem>>) target_semaphore(%arg22 : memref<!tpu.dma_semaphore, #tpu.memory_space<semaphore_mem>>)
    %dma_start3A_34 = tpu.memref_slice %arg4[%add3A_31] : memref<320000xi32, #tpu.memory_space<hbm>> -> memref<80xi32, #tpu.memory_space<hbm>>
    %dma_start3A_35 = tpu.memref_slice %arg4[%add3A_31] : memref<320000xi32, #tpu.memory_space<hbm>> -> memref<80xi32, #tpu.memory_space<hbm>>
    tpu.enqueue_dma source(%dma_start3A_35 : memref<80xi32, #tpu.memory_space<hbm>>) target(%arg13 : memref<80xi32, #tpu.memory_space<vmem>>) target_semaphore(%arg22 : memref<!tpu.dma_semaphore, #tpu.memory_space<semaphore_mem>>)
    %add3A_36 = arith.constant 80 : i32
    %add3A_37 = arith.addi %mul3A_4, %add3A_36 : i32
    %dma_wait3A_38 = tpu.memref_slice %arg3[%add3A_37] : memref<320000xi32, #tpu.memory_space<hbm>> -> memref<80xi32, #tpu.memory_space<hbm>>
    %dma_wait3A_39 = tpu.memref_slice %arg3[%add3A_37] : memref<320000xi32, #tpu.memory_space<hbm>> -> memref<80xi32, #tpu.memory_space<hbm>>
    tpu.wait_dma2 semaphore(%arg21 : memref<!tpu.dma_semaphore, #tpu.memory_space<semaphore_mem>>) src(%dma_wait3A_39 : memref<80xi32, #tpu.memory_space<hbm>>) dst(%arg8 : memref<80xi32, #tpu.memory_space<vmem>>)
    %dma_wait3A_40 = tpu.memref_slice %arg4[%add3A_37] : memref<320000xi32, #tpu.memory_space<hbm>> -> memref<80xi32, #tpu.memory_space<hbm>>
    %dma_wait3A_41 = tpu.memref_slice %arg4[%add3A_37] : memref<320000xi32, #tpu.memory_space<hbm>> -> memref<80xi32, #tpu.memory_space<hbm>>
    tpu.wait_dma2 semaphore(%arg21 : memref<!tpu.dma_semaphore, #tpu.memory_space<semaphore_mem>>) src(%dma_wait3A_41 : memref<80xi32, #tpu.memory_space<hbm>>) dst(%arg12 : memref<80xi32, #tpu.memory_space<vmem>>)
    %dma_start3A_42 = arith.constant 0 : i32
    %dma_start3A_43 = arith.constant 0 : i32
    %dma_start3A_44 = tpu.memref_slice %arg2[%dma_start3A_42, %dma_start3A_43] : memref<10000x128xf32, #tpu.memory_space<hbm>> -> memref<10000x128xf32, #tpu.memory_space<hbm>>
    tpu.enqueue_indirect_dma source(%dma_start3A_44 : memref<10000x128xf32, #tpu.memory_space<hbm>>) target(%arg16 : memref<80x128xf32, #tpu.memory_space<vmem>>) offsets(%arg8 : memref<80xi32, #tpu.memory_space<vmem>>) semaphore(%arg25 : memref<!tpu.dma_semaphore, #tpu.memory_space<semaphore_mem>>)
    %dma_wait3A_45 = arith.constant 0 : i32
    %dma_wait3A_46 = arith.constant 0 : i32
    %dma_wait3A_47 = tpu.memref_slice %arg2[%dma_wait3A_45, %dma_wait3A_46] : memref<10000x128xf32, #tpu.memory_space<hbm>> -> memref<10000x128xf32, #tpu.memory_space<hbm>>
    tpu.wait_indirect_dma semaphore(%arg25 : memref<!tpu.dma_semaphore, #tpu.memory_space<semaphore_mem>>) src(%dma_wait3A_47 : memref<10000x128xf32, #tpu.memory_space<hbm>>) dst(%arg16 : memref<80x128xf32, #tpu.memory_space<vmem>>)
    %dma_start3A_48 = arith.constant 0 : i32
    %dma_start3A_49 = arith.constant 0 : i32
    %dma_start3A_50 = tpu.memref_slice %arg19[%dma_start3A_48, %dma_start3A_49] : memref<10112x128xf32, #tpu.memory_space<vmem_shared>> -> memref<10112x128xf32, #tpu.memory_space<vmem_shared>>
    tpu.enqueue_indirect_dma source(%arg16 : memref<80x128xf32, #tpu.memory_space<vmem>>) target(%dma_start3A_50 : memref<10112x128xf32, #tpu.memory_space<vmem_shared>>) offsets(%arg12 : memref<80xi32, #tpu.memory_space<vmem>>) semaphore(%arg29 : memref<!tpu.dma_semaphore, #tpu.memory_space<semaphore_mem>>) {add = true}
    %add3A_51 = arith.constant 240 : i32
    %add3A_52 = arith.addi %mul3A_4, %add3A_51 : i32
    %dma_start3A_53 = tpu.memref_slice %arg3[%add3A_52] : memref<320000xi32, #tpu.memory_space<hbm>> -> memref<80xi32, #tpu.memory_space<hbm>>
    %dma_start3A_54 = tpu.memref_slice %arg3[%add3A_52] : memref<320000xi32, #tpu.memory_space<hbm>> -> memref<80xi32, #tpu.memory_space<hbm>>
    tpu.enqueue_dma source(%dma_start3A_54 : memref<80xi32, #tpu.memory_space<hbm>>) target(%arg10 : memref<80xi32, #tpu.memory_space<vmem>>) target_semaphore(%arg23 : memref<!tpu.dma_semaphore, #tpu.memory_space<semaphore_mem>>)
    %dma_start3A_55 = tpu.memref_slice %arg4[%add3A_52] : memref<320000xi32, #tpu.memory_space<hbm>> -> memref<80xi32, #tpu.memory_space<hbm>>
    %dma_start3A_56 = tpu.memref_slice %arg4[%add3A_52] : memref<320000xi32, #tpu.memory_space<hbm>> -> memref<80xi32, #tpu.memory_space<hbm>>
    tpu.enqueue_dma source(%dma_start3A_56 : memref<80xi32, #tpu.memory_space<hbm>>) target(%arg14 : memref<80xi32, #tpu.memory_space<vmem>>) target_semaphore(%arg23 : memref<!tpu.dma_semaphore, #tpu.memory_space<semaphore_mem>>)
    %add3A_57 = arith.constant 160 : i32
    %add3A_58 = arith.addi %mul3A_4, %add3A_57 : i32
    %dma_wait3A_59 = tpu.memref_slice %arg3[%add3A_58] : memref<320000xi32, #tpu.memory_space<hbm>> -> memref<80xi32, #tpu.memory_space<hbm>>
    %dma_wait3A_60 = tpu.memref_slice %arg3[%add3A_58] : memref<320000xi32, #tpu.memory_space<hbm>> -> memref<80xi32, #tpu.memory_space<hbm>>
    tpu.wait_dma2 semaphore(%arg22 : memref<!tpu.dma_semaphore, #tpu.memory_space<semaphore_mem>>) src(%dma_wait3A_60 : memref<80xi32, #tpu.memory_space<hbm>>) dst(%arg9 : memref<80xi32, #tpu.memory_space<vmem>>)
    %dma_wait3A_61 = tpu.memref_slice %arg4[%add3A_58] : memref<320000xi32, #tpu.memory_space<hbm>> -> memref<80xi32, #tpu.memory_space<hbm>>
    %dma_wait3A_62 = tpu.memref_slice %arg4[%add3A_58] : memref<320000xi32, #tpu.memory_space<hbm>> -> memref<80xi32, #tpu.memory_space<hbm>>
    tpu.wait_dma2 semaphore(%arg22 : memref<!tpu.dma_semaphore, #tpu.memory_space<semaphore_mem>>) src(%dma_wait3A_62 : memref<80xi32, #tpu.memory_space<hbm>>) dst(%arg13 : memref<80xi32, #tpu.memory_space<vmem>>)
    %dma_start3A_63 = arith.constant 0 : i32
    %dma_start3A_64 = arith.constant 0 : i32
    %dma_start3A_65 = tpu.memref_slice %arg2[%dma_start3A_63, %dma_start3A_64] : memref<10000x128xf32, #tpu.memory_space<hbm>> -> memref<10000x128xf32, #tpu.memory_space<hbm>>
    tpu.enqueue_indirect_dma source(%dma_start3A_65 : memref<10000x128xf32, #tpu.memory_space<hbm>>) target(%arg17 : memref<80x128xf32, #tpu.memory_space<vmem>>) offsets(%arg9 : memref<80xi32, #tpu.memory_space<vmem>>) semaphore(%arg26 : memref<!tpu.dma_semaphore, #tpu.memory_space<semaphore_mem>>)
    %scan3A = arith.constant 0 : i32
    %scan3A_66 = arith.constant 2 : i32
    %scan3A_67 = arith.constant 121 : i32
    %scan3A_68 = arith.addi %scan3A_66, %scan3A_67 : i32
    %scan3A_69 = arith.constant 1 : i32
    scf.for %scan3A_105 = %scan3A_66 to %scan3A_68 step %scan3A_69  : i32 {
      %jit3A = arith.constant 4 : i32
      %eq3A = arith.constant 0 : i32
      %eq3A_106 = arith.cmpi eq, %jit3A, %eq3A : i32
      %jit3A_107 = arith.constant 1 : i32
      %select_n3A = arith.select %eq3A_106, %jit3A_107, %jit3A : i32
      %rem3A = arith.remsi %scan3A_105, %select_n3A : i32
      %ne3A = arith.constant 0 : i32
      %ne3A_108 = arith.cmpi ne, %rem3A, %ne3A : i32
      %lt3A = arith.constant 0 : i32
      %lt3A_109 = arith.cmpi slt, %rem3A, %lt3A : i32
      %lt3A_110 = arith.constant 0 : i32
      %lt3A_111 = arith.cmpi slt, %select_n3A, %lt3A_110 : i32
      %ne3A_112 = arith.xori %lt3A_109, %lt3A_111 : i1
      %and3A = arith.andi %ne3A_112, %ne3A_108 : i1
      %add3A_113 = arith.addi %rem3A, %select_n3A : i32
      %select_n3A_114 = arith.select %and3A, %add3A_113, %rem3A : i32
      %eq3A_115 = arith.constant 0 : i32
      %eq3A_116 = arith.cmpi eq, %select_n3A_114, %eq3A_115 : i32
      %convert_element_type3A = arith.extui %eq3A_116 : i1 to i32
      %cond3A = arith.constant 0 : i32
      %cond3A_117 = arith.cmpi ne, %convert_element_type3A, %cond3A : i32
      scf.if %cond3A_117 {
        %add3A_181 = arith.constant 1 : i32
        %add3A_182 = arith.addi %scan3A_105, %add3A_181 : i32
        %mul3A_183 = arith.constant 80 : i32
        %mul3A_184 = arith.muli %add3A_182, %mul3A_183 : i32
        %add3A_185 = arith.addi %mul3A_4, %mul3A_184 : i32
        %dma_wait3A_186 = tpu.memref_slice %arg3[%add3A_185] : memref<320000xi32, #tpu.memory_space<hbm>> -> memref<80xi32, #tpu.memory_space<hbm>>
        %dma_wait3A_187 = tpu.memref_slice %arg3[%add3A_185] : memref<320000xi32, #tpu.memory_space<hbm>> -> memref<80xi32, #tpu.memory_space<hbm>>
        tpu.wait_dma2 semaphore(%arg21 : memref<!tpu.dma_semaphore, #tpu.memory_space<semaphore_mem>>) src(%dma_wait3A_187 : memref<80xi32, #tpu.memory_space<hbm>>) dst(%arg8 : memref<80xi32, #tpu.memory_space<vmem>>)
        %dma_wait3A_188 = tpu.memref_slice %arg4[%add3A_185] : memref<320000xi32, #tpu.memory_space<hbm>> -> memref<80xi32, #tpu.memory_space<hbm>>
        %dma_wait3A_189 = tpu.memref_slice %arg4[%add3A_185] : memref<320000xi32, #tpu.memory_space<hbm>> -> memref<80xi32, #tpu.memory_space<hbm>>
        tpu.wait_dma2 semaphore(%arg21 : memref<!tpu.dma_semaphore, #tpu.memory_space<semaphore_mem>>) src(%dma_wait3A_189 : memref<80xi32, #tpu.memory_space<hbm>>) dst(%arg12 : memref<80xi32, #tpu.memory_space<vmem>>)
        %dma_start3A_190 = arith.constant 0 : i32
        %dma_start3A_191 = arith.constant 0 : i32
        %dma_start3A_192 = tpu.memref_slice %arg2[%dma_start3A_190, %dma_start3A_191] : memref<10000x128xf32, #tpu.memory_space<hbm>> -> memref<10000x128xf32, #tpu.memory_space<hbm>>
        tpu.enqueue_indirect_dma source(%dma_start3A_192 : memref<10000x128xf32, #tpu.memory_space<hbm>>) target(%arg16 : memref<80x128xf32, #tpu.memory_space<vmem>>) offsets(%arg8 : memref<80xi32, #tpu.memory_space<vmem>>) semaphore(%arg25 : memref<!tpu.dma_semaphore, #tpu.memory_space<semaphore_mem>>)
        %dma_wait3A_193 = arith.constant 0 : i32
        %dma_wait3A_194 = arith.constant 0 : i32
        %dma_wait3A_195 = tpu.memref_slice %arg2[%dma_wait3A_193, %dma_wait3A_194] : memref<10000x128xf32, #tpu.memory_space<hbm>> -> memref<10000x128xf32, #tpu.memory_space<hbm>>
        tpu.wait_indirect_dma semaphore(%arg24 : memref<!tpu.dma_semaphore, #tpu.memory_space<semaphore_mem>>) src(%dma_wait3A_195 : memref<10000x128xf32, #tpu.memory_space<hbm>>) dst(%arg15 : memref<80x128xf32, #tpu.memory_space<vmem>>)
        %dma_start3A_196 = arith.constant 0 : i32
        %dma_start3A_197 = arith.constant 0 : i32
        %dma_start3A_198 = tpu.memref_slice %arg19[%dma_start3A_196, %dma_start3A_197] : memref<10112x128xf32, #tpu.memory_space<vmem_shared>> -> memref<10112x128xf32, #tpu.memory_space<vmem_shared>>
        tpu.enqueue_indirect_dma source(%arg15 : memref<80x128xf32, #tpu.memory_space<vmem>>) target(%dma_start3A_198 : memref<10112x128xf32, #tpu.memory_space<vmem_shared>>) offsets(%arg11 : memref<80xi32, #tpu.memory_space<vmem>>) semaphore(%arg28 : memref<!tpu.dma_semaphore, #tpu.memory_space<semaphore_mem>>) {add = true}
        %dma_wait3A_199 = arith.constant 0 : i32
        %dma_wait3A_200 = arith.constant 0 : i32
        %dma_wait3A_201 = tpu.memref_slice %arg19[%dma_wait3A_199, %dma_wait3A_200] : memref<10112x128xf32, #tpu.memory_space<vmem_shared>> -> memref<10112x128xf32, #tpu.memory_space<vmem_shared>>
        tpu.wait_indirect_dma semaphore(%arg30 : memref<!tpu.dma_semaphore, #tpu.memory_space<semaphore_mem>>) src(%arg17 : memref<80x128xf32, #tpu.memory_space<vmem>>) dst(%dma_wait3A_201 : memref<10112x128xf32, #tpu.memory_space<vmem_shared>>)
        %add3A_202 = arith.constant 2 : i32
        %add3A_203 = arith.addi %scan3A_105, %add3A_202 : i32
        %mul3A_204 = arith.constant 80 : i32
        %mul3A_205 = arith.muli %add3A_203, %mul3A_204 : i32
        %add3A_206 = arith.addi %mul3A_4, %mul3A_205 : i32
        %dma_start3A_207 = tpu.memref_slice %arg3[%add3A_206] : memref<320000xi32, #tpu.memory_space<hbm>> -> memref<80xi32, #tpu.memory_space<hbm>>
        %dma_start3A_208 = tpu.memref_slice %arg3[%add3A_206] : memref<320000xi32, #tpu.memory_space<hbm>> -> memref<80xi32, #tpu.memory_space<hbm>>
        tpu.enqueue_dma source(%dma_start3A_208 : memref<80xi32, #tpu.memory_space<hbm>>) target(%arg9 : memref<80xi32, #tpu.memory_space<vmem>>) target_semaphore(%arg22 : memref<!tpu.dma_semaphore, #tpu.memory_space<semaphore_mem>>)
        %dma_start3A_209 = tpu.memref_slice %arg4[%add3A_206] : memref<320000xi32, #tpu.memory_space<hbm>> -> memref<80xi32, #tpu.memory_space<hbm>>
        %dma_start3A_210 = tpu.memref_slice %arg4[%add3A_206] : memref<320000xi32, #tpu.memory_space<hbm>> -> memref<80xi32, #tpu.memory_space<hbm>>
        tpu.enqueue_dma source(%dma_start3A_210 : memref<80xi32, #tpu.memory_space<hbm>>) target(%arg13 : memref<80xi32, #tpu.memory_space<vmem>>) target_semaphore(%arg22 : memref<!tpu.dma_semaphore, #tpu.memory_space<semaphore_mem>>)
      } else {
      }
      %jit3A_118 = arith.constant 4 : i32
      %eq3A_119 = arith.constant 0 : i32
      %eq3A_120 = arith.cmpi eq, %jit3A_118, %eq3A_119 : i32
      %jit3A_121 = arith.constant 1 : i32
      %select_n3A_122 = arith.select %eq3A_120, %jit3A_121, %jit3A_118 : i32
      %rem3A_123 = arith.remsi %scan3A_105, %select_n3A_122 : i32
      %ne3A_124 = arith.constant 0 : i32
      %ne3A_125 = arith.cmpi ne, %rem3A_123, %ne3A_124 : i32
      %lt3A_126 = arith.constant 0 : i32
      %lt3A_127 = arith.cmpi slt, %rem3A_123, %lt3A_126 : i32
      %lt3A_128 = arith.constant 0 : i32
      %lt3A_129 = arith.cmpi slt, %select_n3A_122, %lt3A_128 : i32
      %ne3A_130 = arith.xori %lt3A_127, %lt3A_129 : i1
      %and3A_131 = arith.andi %ne3A_130, %ne3A_125 : i1
      %add3A_132 = arith.addi %rem3A_123, %select_n3A_122 : i32
      %select_n3A_133 = arith.select %and3A_131, %add3A_132, %rem3A_123 : i32
      %eq3A_134 = arith.constant 1 : i32
      %eq3A_135 = arith.cmpi eq, %select_n3A_133, %eq3A_134 : i32
      %convert_element_type3A_136 = arith.extui %eq3A_135 : i1 to i32
      %cond3A_137 = arith.constant 0 : i32
      %cond3A_138 = arith.cmpi ne, %convert_element_type3A_136, %cond3A_137 : i32
      scf.if %cond3A_138 {
        %add3A_181 = arith.constant 1 : i32
        %add3A_182 = arith.addi %scan3A_105, %add3A_181 : i32
        %mul3A_183 = arith.constant 80 : i32
        %mul3A_184 = arith.muli %add3A_182, %mul3A_183 : i32
        %add3A_185 = arith.addi %mul3A_4, %mul3A_184 : i32
        %dma_wait3A_186 = tpu.memref_slice %arg3[%add3A_185] : memref<320000xi32, #tpu.memory_space<hbm>> -> memref<80xi32, #tpu.memory_space<hbm>>
        %dma_wait3A_187 = tpu.memref_slice %arg3[%add3A_185] : memref<320000xi32, #tpu.memory_space<hbm>> -> memref<80xi32, #tpu.memory_space<hbm>>
        tpu.wait_dma2 semaphore(%arg22 : memref<!tpu.dma_semaphore, #tpu.memory_space<semaphore_mem>>) src(%dma_wait3A_187 : memref<80xi32, #tpu.memory_space<hbm>>) dst(%arg9 : memref<80xi32, #tpu.memory_space<vmem>>)
        %dma_wait3A_188 = tpu.memref_slice %arg4[%add3A_185] : memref<320000xi32, #tpu.memory_space<hbm>> -> memref<80xi32, #tpu.memory_space<hbm>>
        %dma_wait3A_189 = tpu.memref_slice %arg4[%add3A_185] : memref<320000xi32, #tpu.memory_space<hbm>> -> memref<80xi32, #tpu.memory_space<hbm>>
        tpu.wait_dma2 semaphore(%arg22 : memref<!tpu.dma_semaphore, #tpu.memory_space<semaphore_mem>>) src(%dma_wait3A_189 : memref<80xi32, #tpu.memory_space<hbm>>) dst(%arg13 : memref<80xi32, #tpu.memory_space<vmem>>)
        %dma_start3A_190 = arith.constant 0 : i32
        %dma_start3A_191 = arith.constant 0 : i32
        %dma_start3A_192 = tpu.memref_slice %arg2[%dma_start3A_190, %dma_start3A_191] : memref<10000x128xf32, #tpu.memory_space<hbm>> -> memref<10000x128xf32, #tpu.memory_space<hbm>>
        tpu.enqueue_indirect_dma source(%dma_start3A_192 : memref<10000x128xf32, #tpu.memory_space<hbm>>) target(%arg17 : memref<80x128xf32, #tpu.memory_space<vmem>>) offsets(%arg9 : memref<80xi32, #tpu.memory_space<vmem>>) semaphore(%arg26 : memref<!tpu.dma_semaphore, #tpu.memory_space<semaphore_mem>>)
        %dma_wait3A_193 = arith.constant 0 : i32
        %dma_wait3A_194 = arith.constant 0 : i32
        %dma_wait3A_195 = tpu.memref_slice %arg2[%dma_wait3A_193, %dma_wait3A_194] : memref<10000x128xf32, #tpu.memory_space<hbm>> -> memref<10000x128xf32, #tpu.memory_space<hbm>>
        tpu.wait_indirect_dma semaphore(%arg25 : memref<!tpu.dma_semaphore, #tpu.memory_space<semaphore_mem>>) src(%dma_wait3A_195 : memref<10000x128xf32, #tpu.memory_space<hbm>>) dst(%arg16 : memref<80x128xf32, #tpu.memory_space<vmem>>)
        %dma_start3A_196 = arith.constant 0 : i32
        %dma_start3A_197 = arith.constant 0 : i32
        %dma_start3A_198 = tpu.memref_slice %arg19[%dma_start3A_196, %dma_start3A_197] : memref<10112x128xf32, #tpu.memory_space<vmem_shared>> -> memref<10112x128xf32, #tpu.memory_space<vmem_shared>>
        tpu.enqueue_indirect_dma source(%arg16 : memref<80x128xf32, #tpu.memory_space<vmem>>) target(%dma_start3A_198 : memref<10112x128xf32, #tpu.memory_space<vmem_shared>>) offsets(%arg12 : memref<80xi32, #tpu.memory_space<vmem>>) semaphore(%arg29 : memref<!tpu.dma_semaphore, #tpu.memory_space<semaphore_mem>>) {add = true}
        %dma_wait3A_199 = arith.constant 0 : i32
        %dma_wait3A_200 = arith.constant 0 : i32
        %dma_wait3A_201 = tpu.memref_slice %arg19[%dma_wait3A_199, %dma_wait3A_200] : memref<10112x128xf32, #tpu.memory_space<vmem_shared>> -> memref<10112x128xf32, #tpu.memory_space<vmem_shared>>
        tpu.wait_indirect_dma semaphore(%arg31 : memref<!tpu.dma_semaphore, #tpu.memory_space<semaphore_mem>>) src(%arg18 : memref<80x128xf32, #tpu.memory_space<vmem>>) dst(%dma_wait3A_201 : memref<10112x128xf32, #tpu.memory_space<vmem_shared>>)
        %add3A_202 = arith.constant 2 : i32
        %add3A_203 = arith.addi %scan3A_105, %add3A_202 : i32
        %mul3A_204 = arith.constant 80 : i32
        %mul3A_205 = arith.muli %add3A_203, %mul3A_204 : i32
        %add3A_206 = arith.addi %mul3A_4, %mul3A_205 : i32
        %dma_start3A_207 = tpu.memref_slice %arg3[%add3A_206] : memref<320000xi32, #tpu.memory_space<hbm>> -> memref<80xi32, #tpu.memory_space<hbm>>
        %dma_start3A_208 = tpu.memref_slice %arg3[%add3A_206] : memref<320000xi32, #tpu.memory_space<hbm>> -> memref<80xi32, #tpu.memory_space<hbm>>
        tpu.enqueue_dma source(%dma_start3A_208 : memref<80xi32, #tpu.memory_space<hbm>>) target(%arg10 : memref<80xi32, #tpu.memory_space<vmem>>) target_semaphore(%arg23 : memref<!tpu.dma_semaphore, #tpu.memory_space<semaphore_mem>>)
        %dma_start3A_209 = tpu.memref_slice %arg4[%add3A_206] : memref<320000xi32, #tpu.memory_space<hbm>> -> memref<80xi32, #tpu.memory_space<hbm>>
        %dma_start3A_210 = tpu.memref_slice %arg4[%add3A_206] : memref<320000xi32, #tpu.memory_space<hbm>> -> memref<80xi32, #tpu.memory_space<hbm>>
        tpu.enqueue_dma source(%dma_start3A_210 : memref<80xi32, #tpu.memory_space<hbm>>) target(%arg14 : memref<80xi32, #tpu.memory_space<vmem>>) target_semaphore(%arg23 : memref<!tpu.dma_semaphore, #tpu.memory_space<semaphore_mem>>)
      } else {
      }
      %jit3A_139 = arith.constant 4 : i32
      %eq3A_140 = arith.constant 0 : i32
      %eq3A_141 = arith.cmpi eq, %jit3A_139, %eq3A_140 : i32
      %jit3A_142 = arith.constant 1 : i32
      %select_n3A_143 = arith.select %eq3A_141, %jit3A_142, %jit3A_139 : i32
      %rem3A_144 = arith.remsi %scan3A_105, %select_n3A_143 : i32
      %ne3A_145 = arith.constant 0 : i32
      %ne3A_146 = arith.cmpi ne, %rem3A_144, %ne3A_145 : i32
      %lt3A_147 = arith.constant 0 : i32
      %lt3A_148 = arith.cmpi slt, %rem3A_144, %lt3A_147 : i32
      %lt3A_149 = arith.constant 0 : i32
      %lt3A_150 = arith.cmpi slt, %select_n3A_143, %lt3A_149 : i32
      %ne3A_151 = arith.xori %lt3A_148, %lt3A_150 : i1
      %and3A_152 = arith.andi %ne3A_151, %ne3A_146 : i1
      %add3A_153 = arith.addi %rem3A_144, %select_n3A_143 : i32
      %select_n3A_154 = arith.select %and3A_152, %add3A_153, %rem3A_144 : i32
      %eq3A_155 = arith.constant 2 : i32
      %eq3A_156 = arith.cmpi eq, %select_n3A_154, %eq3A_155 : i32
      %convert_element_type3A_157 = arith.extui %eq3A_156 : i1 to i32
      %cond3A_158 = arith.constant 0 : i32
      %cond3A_159 = arith.cmpi ne, %convert_element_type3A_157, %cond3A_158 : i32
      scf.if %cond3A_159 {
        %add3A_181 = arith.constant 1 : i32
        %add3A_182 = arith.addi %scan3A_105, %add3A_181 : i32
        %mul3A_183 = arith.constant 80 : i32
        %mul3A_184 = arith.muli %add3A_182, %mul3A_183 : i32
        %add3A_185 = arith.addi %mul3A_4, %mul3A_184 : i32
        %dma_wait3A_186 = tpu.memref_slice %arg3[%add3A_185] : memref<320000xi32, #tpu.memory_space<hbm>> -> memref<80xi32, #tpu.memory_space<hbm>>
        %dma_wait3A_187 = tpu.memref_slice %arg3[%add3A_185] : memref<320000xi32, #tpu.memory_space<hbm>> -> memref<80xi32, #tpu.memory_space<hbm>>
        tpu.wait_dma2 semaphore(%arg23 : memref<!tpu.dma_semaphore, #tpu.memory_space<semaphore_mem>>) src(%dma_wait3A_187 : memref<80xi32, #tpu.memory_space<hbm>>) dst(%arg10 : memref<80xi32, #tpu.memory_space<vmem>>)
        %dma_wait3A_188 = tpu.memref_slice %arg4[%add3A_185] : memref<320000xi32, #tpu.memory_space<hbm>> -> memref<80xi32, #tpu.memory_space<hbm>>
        %dma_wait3A_189 = tpu.memref_slice %arg4[%add3A_185] : memref<320000xi32, #tpu.memory_space<hbm>> -> memref<80xi32, #tpu.memory_space<hbm>>
        tpu.wait_dma2 semaphore(%arg23 : memref<!tpu.dma_semaphore, #tpu.memory_space<semaphore_mem>>) src(%dma_wait3A_189 : memref<80xi32, #tpu.memory_space<hbm>>) dst(%arg14 : memref<80xi32, #tpu.memory_space<vmem>>)
        %dma_start3A_190 = arith.constant 0 : i32
        %dma_start3A_191 = arith.constant 0 : i32
        %dma_start3A_192 = tpu.memref_slice %arg2[%dma_start3A_190, %dma_start3A_191] : memref<10000x128xf32, #tpu.memory_space<hbm>> -> memref<10000x128xf32, #tpu.memory_space<hbm>>
        tpu.enqueue_indirect_dma source(%dma_start3A_192 : memref<10000x128xf32, #tpu.memory_space<hbm>>) target(%arg18 : memref<80x128xf32, #tpu.memory_space<vmem>>) offsets(%arg10 : memref<80xi32, #tpu.memory_space<vmem>>) semaphore(%arg27 : memref<!tpu.dma_semaphore, #tpu.memory_space<semaphore_mem>>)
        %dma_wait3A_193 = arith.constant 0 : i32
        %dma_wait3A_194 = arith.constant 0 : i32
        %dma_wait3A_195 = tpu.memref_slice %arg2[%dma_wait3A_193, %dma_wait3A_194] : memref<10000x128xf32, #tpu.memory_space<hbm>> -> memref<10000x128xf32, #tpu.memory_space<hbm>>
        tpu.wait_indirect_dma semaphore(%arg26 : memref<!tpu.dma_semaphore, #tpu.memory_space<semaphore_mem>>) src(%dma_wait3A_195 : memref<10000x128xf32, #tpu.memory_space<hbm>>) dst(%arg17 : memref<80x128xf32, #tpu.memory_space<vmem>>)
        %dma_start3A_196 = arith.constant 0 : i32
        %dma_start3A_197 = arith.constant 0 : i32
        %dma_start3A_198 = tpu.memref_slice %arg19[%dma_start3A_196, %dma_start3A_197] : memref<10112x128xf32, #tpu.memory_space<vmem_shared>> -> memref<10112x128xf32, #tpu.memory_space<vmem_shared>>
        tpu.enqueue_indirect_dma source(%arg17 : memref<80x128xf32, #tpu.memory_space<vmem>>) target(%dma_start3A_198 : memref<10112x128xf32, #tpu.memory_space<vmem_shared>>) offsets(%arg13 : memref<80xi32, #tpu.memory_space<vmem>>) semaphore(%arg30 : memref<!tpu.dma_semaphore, #tpu.memory_space<semaphore_mem>>) {add = true}
        %dma_wait3A_199 = arith.constant 0 : i32
        %dma_wait3A_200 = arith.constant 0 : i32
        %dma_wait3A_201 = tpu.memref_slice %arg19[%dma_wait3A_199, %dma_wait3A_200] : memref<10112x128xf32, #tpu.memory_space<vmem_shared>> -> memref<10112x128xf32, #tpu.memory_space<vmem_shared>>
        tpu.wait_indirect_dma semaphore(%arg28 : memref<!tpu.dma_semaphore, #tpu.memory_space<semaphore_mem>>) src(%arg15 : memref<80x128xf32, #tpu.memory_space<vmem>>) dst(%dma_wait3A_201 : memref<10112x128xf32, #tpu.memory_space<vmem_shared>>)
        %add3A_202 = arith.constant 2 : i32
        %add3A_203 = arith.addi %scan3A_105, %add3A_202 : i32
        %mul3A_204 = arith.constant 80 : i32
        %mul3A_205 = arith.muli %add3A_203, %mul3A_204 : i32
        %add3A_206 = arith.addi %mul3A_4, %mul3A_205 : i32
        %dma_start3A_207 = tpu.memref_slice %arg3[%add3A_206] : memref<320000xi32, #tpu.memory_space<hbm>> -> memref<80xi32, #tpu.memory_space<hbm>>
        %dma_start3A_208 = tpu.memref_slice %arg3[%add3A_206] : memref<320000xi32, #tpu.memory_space<hbm>> -> memref<80xi32, #tpu.memory_space<hbm>>
        tpu.enqueue_dma source(%dma_start3A_208 : memref<80xi32, #tpu.memory_space<hbm>>) target(%arg7 : memref<80xi32, #tpu.memory_space<vmem>>) target_semaphore(%arg20 : memref<!tpu.dma_semaphore, #tpu.memory_space<semaphore_mem>>)
        %dma_start3A_209 = tpu.memref_slice %arg4[%add3A_206] : memref<320000xi32, #tpu.memory_space<hbm>> -> memref<80xi32, #tpu.memory_space<hbm>>
        %dma_start3A_210 = tpu.memref_slice %arg4[%add3A_206] : memref<320000xi32, #tpu.memory_space<hbm>> -> memref<80xi32, #tpu.memory_space<hbm>>
        tpu.enqueue_dma source(%dma_start3A_210 : memref<80xi32, #tpu.memory_space<hbm>>) target(%arg11 : memref<80xi32, #tpu.memory_space<vmem>>) target_semaphore(%arg20 : memref<!tpu.dma_semaphore, #tpu.memory_space<semaphore_mem>>)
      } else {
      }
      %jit3A_160 = arith.constant 4 : i32
      %eq3A_161 = arith.constant 0 : i32
      %eq3A_162 = arith.cmpi eq, %jit3A_160, %eq3A_161 : i32
      %jit3A_163 = arith.constant 1 : i32
      %select_n3A_164 = arith.select %eq3A_162, %jit3A_163, %jit3A_160 : i32
      %rem3A_165 = arith.remsi %scan3A_105, %select_n3A_164 : i32
      %ne3A_166 = arith.constant 0 : i32
      %ne3A_167 = arith.cmpi ne, %rem3A_165, %ne3A_166 : i32
      %lt3A_168 = arith.constant 0 : i32
      %lt3A_169 = arith.cmpi slt, %rem3A_165, %lt3A_168 : i32
      %lt3A_170 = arith.constant 0 : i32
      %lt3A_171 = arith.cmpi slt, %select_n3A_164, %lt3A_170 : i32
      %ne3A_172 = arith.xori %lt3A_169, %lt3A_171 : i1
      %and3A_173 = arith.andi %ne3A_172, %ne3A_167 : i1
      %add3A_174 = arith.addi %rem3A_165, %select_n3A_164 : i32
      %select_n3A_175 = arith.select %and3A_173, %add3A_174, %rem3A_165 : i32
      %eq3A_176 = arith.constant 3 : i32
      %eq3A_177 = arith.cmpi eq, %select_n3A_175, %eq3A_176 : i32
      %convert_element_type3A_178 = arith.extui %eq3A_177 : i1 to i32
      %cond3A_179 = arith.constant 0 : i32
      %cond3A_180 = arith.cmpi ne, %convert_element_type3A_178, %cond3A_179 : i32
      scf.if %cond3A_180 {
        %add3A_181 = arith.constant 1 : i32
        %add3A_182 = arith.addi %scan3A_105, %add3A_181 : i32
        %mul3A_183 = arith.constant 80 : i32
        %mul3A_184 = arith.muli %add3A_182, %mul3A_183 : i32
        %add3A_185 = arith.addi %mul3A_4, %mul3A_184 : i32
        %dma_wait3A_186 = tpu.memref_slice %arg3[%add3A_185] : memref<320000xi32, #tpu.memory_space<hbm>> -> memref<80xi32, #tpu.memory_space<hbm>>
        %dma_wait3A_187 = tpu.memref_slice %arg3[%add3A_185] : memref<320000xi32, #tpu.memory_space<hbm>> -> memref<80xi32, #tpu.memory_space<hbm>>
        tpu.wait_dma2 semaphore(%arg20 : memref<!tpu.dma_semaphore, #tpu.memory_space<semaphore_mem>>) src(%dma_wait3A_187 : memref<80xi32, #tpu.memory_space<hbm>>) dst(%arg7 : memref<80xi32, #tpu.memory_space<vmem>>)
        %dma_wait3A_188 = tpu.memref_slice %arg4[%add3A_185] : memref<320000xi32, #tpu.memory_space<hbm>> -> memref<80xi32, #tpu.memory_space<hbm>>
        %dma_wait3A_189 = tpu.memref_slice %arg4[%add3A_185] : memref<320000xi32, #tpu.memory_space<hbm>> -> memref<80xi32, #tpu.memory_space<hbm>>
        tpu.wait_dma2 semaphore(%arg20 : memref<!tpu.dma_semaphore, #tpu.memory_space<semaphore_mem>>) src(%dma_wait3A_189 : memref<80xi32, #tpu.memory_space<hbm>>) dst(%arg11 : memref<80xi32, #tpu.memory_space<vmem>>)
        %dma_start3A_190 = arith.constant 0 : i32
        %dma_start3A_191 = arith.constant 0 : i32
        %dma_start3A_192 = tpu.memref_slice %arg2[%dma_start3A_190, %dma_start3A_191] : memref<10000x128xf32, #tpu.memory_space<hbm>> -> memref<10000x128xf32, #tpu.memory_space<hbm>>
        tpu.enqueue_indirect_dma source(%dma_start3A_192 : memref<10000x128xf32, #tpu.memory_space<hbm>>) target(%arg15 : memref<80x128xf32, #tpu.memory_space<vmem>>) offsets(%arg7 : memref<80xi32, #tpu.memory_space<vmem>>) semaphore(%arg24 : memref<!tpu.dma_semaphore, #tpu.memory_space<semaphore_mem>>)
        %dma_wait3A_193 = arith.constant 0 : i32
        %dma_wait3A_194 = arith.constant 0 : i32
        %dma_wait3A_195 = tpu.memref_slice %arg2[%dma_wait3A_193, %dma_wait3A_194] : memref<10000x128xf32, #tpu.memory_space<hbm>> -> memref<10000x128xf32, #tpu.memory_space<hbm>>
        tpu.wait_indirect_dma semaphore(%arg27 : memref<!tpu.dma_semaphore, #tpu.memory_space<semaphore_mem>>) src(%dma_wait3A_195 : memref<10000x128xf32, #tpu.memory_space<hbm>>) dst(%arg18 : memref<80x128xf32, #tpu.memory_space<vmem>>)
        %dma_start3A_196 = arith.constant 0 : i32
        %dma_start3A_197 = arith.constant 0 : i32
        %dma_start3A_198 = tpu.memref_slice %arg19[%dma_start3A_196, %dma_start3A_197] : memref<10112x128xf32, #tpu.memory_space<vmem_shared>> -> memref<10112x128xf32, #tpu.memory_space<vmem_shared>>
        tpu.enqueue_indirect_dma source(%arg18 : memref<80x128xf32, #tpu.memory_space<vmem>>) target(%dma_start3A_198 : memref<10112x128xf32, #tpu.memory_space<vmem_shared>>) offsets(%arg14 : memref<80xi32, #tpu.memory_space<vmem>>) semaphore(%arg31 : memref<!tpu.dma_semaphore, #tpu.memory_space<semaphore_mem>>) {add = true}
        %dma_wait3A_199 = arith.constant 0 : i32
        %dma_wait3A_200 = arith.constant 0 : i32
        %dma_wait3A_201 = tpu.memref_slice %arg19[%dma_wait3A_199, %dma_wait3A_200] : memref<10112x128xf32, #tpu.memory_space<vmem_shared>> -> memref<10112x128xf32, #tpu.memory_space<vmem_shared>>
        tpu.wait_indirect_dma semaphore(%arg29 : memref<!tpu.dma_semaphore, #tpu.memory_space<semaphore_mem>>) src(%arg16 : memref<80x128xf32, #tpu.memory_space<vmem>>) dst(%dma_wait3A_201 : memref<10112x128xf32, #tpu.memory_space<vmem_shared>>)
        %add3A_202 = arith.constant 2 : i32
        %add3A_203 = arith.addi %scan3A_105, %add3A_202 : i32
        %mul3A_204 = arith.constant 80 : i32
        %mul3A_205 = arith.muli %add3A_203, %mul3A_204 : i32
        %add3A_206 = arith.addi %mul3A_4, %mul3A_205 : i32
        %dma_start3A_207 = tpu.memref_slice %arg3[%add3A_206] : memref<320000xi32, #tpu.memory_space<hbm>> -> memref<80xi32, #tpu.memory_space<hbm>>
        %dma_start3A_208 = tpu.memref_slice %arg3[%add3A_206] : memref<320000xi32, #tpu.memory_space<hbm>> -> memref<80xi32, #tpu.memory_space<hbm>>
        tpu.enqueue_dma source(%dma_start3A_208 : memref<80xi32, #tpu.memory_space<hbm>>) target(%arg8 : memref<80xi32, #tpu.memory_space<vmem>>) target_semaphore(%arg21 : memref<!tpu.dma_semaphore, #tpu.memory_space<semaphore_mem>>)
        %dma_start3A_209 = tpu.memref_slice %arg4[%add3A_206] : memref<320000xi32, #tpu.memory_space<hbm>> -> memref<80xi32, #tpu.memory_space<hbm>>
        %dma_start3A_210 = tpu.memref_slice %arg4[%add3A_206] : memref<320000xi32, #tpu.memory_space<hbm>> -> memref<80xi32, #tpu.memory_space<hbm>>
        tpu.enqueue_dma source(%dma_start3A_210 : memref<80xi32, #tpu.memory_space<hbm>>) target(%arg12 : memref<80xi32, #tpu.memory_space<vmem>>) target_semaphore(%arg21 : memref<!tpu.dma_semaphore, #tpu.memory_space<semaphore_mem>>)
      } else {
      }
    }
    %scan3A_70 = arith.constant 121 : i32
    %dma_wait3A_71 = arith.constant 0 : i32
    %dma_wait3A_72 = arith.constant 0 : i32
    %dma_wait3A_73 = tpu.memref_slice %arg2[%dma_wait3A_71, %dma_wait3A_72] : memref<10000x128xf32, #tpu.memory_space<hbm>> -> memref<10000x128xf32, #tpu.memory_space<hbm>>
    tpu.wait_indirect_dma semaphore(%arg27 : memref<!tpu.dma_semaphore, #tpu.memory_space<semaphore_mem>>) src(%dma_wait3A_73 : memref<10000x128xf32, #tpu.memory_space<hbm>>) dst(%arg18 : memref<80x128xf32, #tpu.memory_space<vmem>>)
    %dma_start3A_74 = arith.constant 0 : i32
    %dma_start3A_75 = arith.constant 0 : i32
    %dma_start3A_76 = tpu.memref_slice %arg19[%dma_start3A_74, %dma_start3A_75] : memref<10112x128xf32, #tpu.memory_space<vmem_shared>> -> memref<10112x128xf32, #tpu.memory_space<vmem_shared>>
    tpu.enqueue_indirect_dma source(%arg18 : memref<80x128xf32, #tpu.memory_space<vmem>>) target(%dma_start3A_76 : memref<10112x128xf32, #tpu.memory_space<vmem_shared>>) offsets(%arg14 : memref<80xi32, #tpu.memory_space<vmem>>) semaphore(%arg31 : memref<!tpu.dma_semaphore, #tpu.memory_space<semaphore_mem>>) {add = true}
    %dma_wait3A_77 = arith.constant 0 : i32
    %dma_wait3A_78 = arith.constant 0 : i32
    %dma_wait3A_79 = tpu.memref_slice %arg19[%dma_wait3A_77, %dma_wait3A_78] : memref<10112x128xf32, #tpu.memory_space<vmem_shared>> -> memref<10112x128xf32, #tpu.memory_space<vmem_shared>>
    tpu.wait_indirect_dma semaphore(%arg29 : memref<!tpu.dma_semaphore, #tpu.memory_space<semaphore_mem>>) src(%arg16 : memref<80x128xf32, #tpu.memory_space<vmem>>) dst(%dma_wait3A_79 : memref<10112x128xf32, #tpu.memory_space<vmem_shared>>)
    %add3A_80 = arith.constant 9920 : i32
    %add3A_81 = arith.addi %mul3A_4, %add3A_80 : i32
    %dma_wait3A_82 = tpu.memref_slice %arg3[%add3A_81] : memref<320000xi32, #tpu.memory_space<hbm>> -> memref<80xi32, #tpu.memory_space<hbm>>
    %dma_wait3A_83 = tpu.memref_slice %arg3[%add3A_81] : memref<320000xi32, #tpu.memory_space<hbm>> -> memref<80xi32, #tpu.memory_space<hbm>>
    tpu.wait_dma2 semaphore(%arg20 : memref<!tpu.dma_semaphore, #tpu.memory_space<semaphore_mem>>) src(%dma_wait3A_83 : memref<80xi32, #tpu.memory_space<hbm>>) dst(%arg7 : memref<80xi32, #tpu.memory_space<vmem>>)
    %dma_wait3A_84 = tpu.memref_slice %arg4[%add3A_81] : memref<320000xi32, #tpu.memory_space<hbm>> -> memref<80xi32, #tpu.memory_space<hbm>>
    %dma_wait3A_85 = tpu.memref_slice %arg4[%add3A_81] : memref<320000xi32, #tpu.memory_space<hbm>> -> memref<80xi32, #tpu.memory_space<hbm>>
    tpu.wait_dma2 semaphore(%arg20 : memref<!tpu.dma_semaphore, #tpu.memory_space<semaphore_mem>>) src(%dma_wait3A_85 : memref<80xi32, #tpu.memory_space<hbm>>) dst(%arg11 : memref<80xi32, #tpu.memory_space<vmem>>)
    %dma_start3A_86 = arith.constant 0 : i32
    %dma_start3A_87 = arith.constant 0 : i32
    %dma_start3A_88 = tpu.memref_slice %arg2[%dma_start3A_86, %dma_start3A_87] : memref<10000x128xf32, #tpu.memory_space<hbm>> -> memref<10000x128xf32, #tpu.memory_space<hbm>>
    tpu.enqueue_indirect_dma source(%dma_start3A_88 : memref<10000x128xf32, #tpu.memory_space<hbm>>) target(%arg15 : memref<80x128xf32, #tpu.memory_space<vmem>>) offsets(%arg7 : memref<80xi32, #tpu.memory_space<vmem>>) semaphore(%arg24 : memref<!tpu.dma_semaphore, #tpu.memory_space<semaphore_mem>>)
    %dma_wait3A_89 = arith.constant 0 : i32
    %dma_wait3A_90 = arith.constant 0 : i32
    %dma_wait3A_91 = tpu.memref_slice %arg2[%dma_wait3A_89, %dma_wait3A_90] : memref<10000x128xf32, #tpu.memory_space<hbm>> -> memref<10000x128xf32, #tpu.memory_space<hbm>>
    tpu.wait_indirect_dma semaphore(%arg24 : memref<!tpu.dma_semaphore, #tpu.memory_space<semaphore_mem>>) src(%dma_wait3A_91 : memref<10000x128xf32, #tpu.memory_space<hbm>>) dst(%arg15 : memref<80x128xf32, #tpu.memory_space<vmem>>)
    %dma_start3A_92 = arith.constant 0 : i32
    %dma_start3A_93 = arith.constant 0 : i32
    %dma_start3A_94 = tpu.memref_slice %arg19[%dma_start3A_92, %dma_start3A_93] : memref<10112x128xf32, #tpu.memory_space<vmem_shared>> -> memref<10112x128xf32, #tpu.memory_space<vmem_shared>>
    tpu.enqueue_indirect_dma source(%arg15 : memref<80x128xf32, #tpu.memory_space<vmem>>) target(%dma_start3A_94 : memref<10112x128xf32, #tpu.memory_space<vmem_shared>>) offsets(%arg11 : memref<80xi32, #tpu.memory_space<vmem>>) semaphore(%arg28 : memref<!tpu.dma_semaphore, #tpu.memory_space<semaphore_mem>>) {add = true}
    %dma_wait3A_95 = arith.constant 0 : i32
    %dma_wait3A_96 = arith.constant 0 : i32
    %dma_wait3A_97 = tpu.memref_slice %arg19[%dma_wait3A_95, %dma_wait3A_96] : memref<10112x128xf32, #tpu.memory_space<vmem_shared>> -> memref<10112x128xf32, #tpu.memory_space<vmem_shared>>
    tpu.wait_indirect_dma semaphore(%arg30 : memref<!tpu.dma_semaphore, #tpu.memory_space<semaphore_mem>>) src(%arg17 : memref<80x128xf32, #tpu.memory_space<vmem>>) dst(%dma_wait3A_97 : memref<10112x128xf32, #tpu.memory_space<vmem_shared>>)
    %dma_wait3A_98 = arith.constant 0 : i32
    %dma_wait3A_99 = arith.constant 0 : i32
    %dma_wait3A_100 = tpu.memref_slice %arg19[%dma_wait3A_98, %dma_wait3A_99] : memref<10112x128xf32, #tpu.memory_space<vmem_shared>> -> memref<10112x128xf32, #tpu.memory_space<vmem_shared>>
    tpu.wait_indirect_dma semaphore(%arg31 : memref<!tpu.dma_semaphore, #tpu.memory_space<semaphore_mem>>) src(%arg18 : memref<80x128xf32, #tpu.memory_space<vmem>>) dst(%dma_wait3A_100 : memref<10112x128xf32, #tpu.memory_space<vmem_shared>>)
    %dma_wait3A_101 = arith.constant 0 : i32
    %dma_wait3A_102 = arith.constant 0 : i32
    %dma_wait3A_103 = tpu.memref_slice %arg19[%dma_wait3A_101, %dma_wait3A_102] : memref<10112x128xf32, #tpu.memory_space<vmem_shared>> -> memref<10112x128xf32, #tpu.memory_space<vmem_shared>>
    tpu.wait_indirect_dma semaphore(%arg28 : memref<!tpu.dma_semaphore, #tpu.memory_space<semaphore_mem>>) src(%arg15 : memref<80x128xf32, #tpu.memory_space<vmem>>) dst(%dma_wait3A_103 : memref<10112x128xf32, #tpu.memory_space<vmem_shared>>)
    %barrier3A_104 = arith.constant 0 : index
    tpu.barrier barrier_id(%barrier3A_104)
    "tpu.region"() ({
      %run_scoped3A = tpu.sem_alloc : memref<!tpu.dma_semaphore, #tpu.memory_space<semaphore_mem>>
      %dma_start3A_105 = arith.constant 0 : i32
      %dma_start3A_106 = tpu.memref_slice %arg6[%arg0, %mul3A_2, %dma_start3A_105] : memref<2x10112x128xf32, #tpu.memory_space<hbm>> -> memref<1x632x128xf32, #tpu.memory_space<hbm>>
      %dma_start3A_107 = tpu.memref_squeeze %dma_start3A_106 : memref<1x632x128xf32, #tpu.memory_space<hbm>> -> memref<632x128xf32, #tpu.memory_space<hbm>>
      %dma_start3A_108 = arith.constant 0 : i32
      %dma_start3A_109 = tpu.memref_slice %arg19[%mul3A_2, %dma_start3A_108] : memref<10112x128xf32, #tpu.memory_space<vmem_shared>> -> memref<632x128xf32, #tpu.memory_space<vmem_shared>>
      tpu.enqueue_dma source(%dma_start3A_109 : memref<632x128xf32, #tpu.memory_space<vmem_shared>>) target(%dma_start3A_107 : memref<632x128xf32, #tpu.memory_space<hbm>>) target_semaphore(%run_scoped3A : memref<!tpu.dma_semaphore, #tpu.memory_space<semaphore_mem>>)
      %dma_wait3A_110 = arith.constant 0 : i32
      %dma_wait3A_111 = tpu.memref_slice %arg6[%arg0, %mul3A_2, %dma_wait3A_110] : memref<2x10112x128xf32, #tpu.memory_space<hbm>> -> memref<1x632x128xf32, #tpu.memory_space<hbm>>
      %dma_wait3A_112 = tpu.memref_squeeze %dma_wait3A_111 : memref<1x632x128xf32, #tpu.memory_space<hbm>> -> memref<632x128xf32, #tpu.memory_space<hbm>>
      %dma_wait3A_113 = arith.constant 0 : i32
      %dma_wait3A_114 = tpu.memref_slice %arg19[%mul3A_2, %dma_wait3A_113] : memref<10112x128xf32, #tpu.memory_space<vmem_shared>> -> memref<632x128xf32, #tpu.memory_space<vmem_shared>>
      tpu.wait_dma2 semaphore(%run_scoped3A : memref<!tpu.dma_semaphore, #tpu.memory_space<semaphore_mem>>) src(%dma_wait3A_114 : memref<632x128xf32, #tpu.memory_space<vmem_shared>>) dst(%dma_wait3A_112 : memref<632x128xf32, #tpu.memory_space<hbm>>)
      tpu.yield
    }) : () -> ()
    return
  }
}

#map = affine_map<(d0, d1) -> (0, 0)>
#map1 = affine_map<(d0, d1) -> (0)>
#map2 = affine_map<(d0, d1) -> (0, 0, 0)>
module attributes {stable_mosaic.version = 14 : i64} {
  func.func @_sc_aggregate(%arg0: i32, %arg1: i32, %arg2: memref<10000x128xf32, #tpu.memory_space<hbm>>, %arg3: memref<320000xi32, #tpu.memory_space<hbm>>, %arg4: memref<320000xi32, #tpu.memory_space<hbm>>, %arg5: memref<632x128xf32, #tpu.memory_space<hbm>>, %arg6: memref<2x10112x128xf32, #tpu.memory_space<hbm>>, %arg7: memref<80xi32, #tpu.memory_space<vmem>>, %arg8: memref<80xi32, #tpu.memory_space<vmem>>, %arg9: memref<80xi32, #tpu.memory_space<vmem>>, %arg10: memref<80xi32, #tpu.memory_space<vmem>>, %arg11: memref<80xi32, #tpu.memory_space<vmem>>, %arg12: memref<80xi32, #tpu.memory_space<vmem>>, %arg13: memref<80xi32, #tpu.memory_space<vmem>>, %arg14: memref<80xi32, #tpu.memory_space<vmem>>, %arg15: memref<80x128xf32, #tpu.memory_space<vmem>>, %arg16: memref<80x128xf32, #tpu.memory_space<vmem>>, %arg17: memref<80x128xf32, #tpu.memory_space<vmem>>, %arg18: memref<80x128xf32, #tpu.memory_space<vmem>>, %arg19: memref<10112x128xf32, #tpu.memory_space<vmem_shared>>, %arg20: memref<!tpu.dma_semaphore, #tpu.memory_space<semaphore_mem>>, %arg21: memref<!tpu.dma_semaphore, #tpu.memory_space<semaphore_mem>>, %arg22: memref<!tpu.dma_semaphore, #tpu.memory_space<semaphore_mem>>, %arg23: memref<!tpu.dma_semaphore, #tpu.memory_space<semaphore_mem>>, %arg24: memref<!tpu.dma_semaphore, #tpu.memory_space<semaphore_mem>>, %arg25: memref<!tpu.dma_semaphore, #tpu.memory_space<semaphore_mem>>, %arg26: memref<!tpu.dma_semaphore, #tpu.memory_space<semaphore_mem>>, %arg27: memref<!tpu.dma_semaphore, #tpu.memory_space<semaphore_mem>>, %arg28: memref<!tpu.dma_semaphore, #tpu.memory_space<semaphore_mem>>, %arg29: memref<!tpu.dma_semaphore, #tpu.memory_space<semaphore_mem>>, %arg30: memref<!tpu.dma_semaphore, #tpu.memory_space<semaphore_mem>>, %arg31: memref<!tpu.dma_semaphore, #tpu.memory_space<semaphore_mem>>) attributes {dimension_semantics = [#tpu.dimension_semantics<core_parallel>, #tpu.dimension_semantics<subcore_parallel>], iteration_bounds = array<i64: 2, 16>, scalar_prefetch = 0 : i64, scratch_operands = 25 : i64, tpu.core_type = #tpu.core_type<sc_vector_subcore>, window_params = [{transform_indices = #map}, {transform_indices = #map1}, {transform_indices = #map1}, {transform_indices = #map}, {transform_indices = #map2}]} {
    %mul3A = arith.constant 2 : i32
    %mul3A_0 = arith.muli %arg1, %mul3A : i32
    %add3A = arith.addi %mul3A_0, %arg0 : i32
    %mul3A_1 = arith.constant 632 : i32
    %mul3A_2 = arith.muli %arg1, %mul3A_1 : i32
    %mul3A_3 = arith.constant 10000 : i32
    %mul3A_4 = arith.muli %add3A, %mul3A_3 : i32
    "tpu.region"() ({
      %run_scoped3A = tpu.sem_alloc : memref<!tpu.dma_semaphore, #tpu.memory_space<semaphore_mem>>
      %dma_start3A_105 = arith.constant 0 : i32
      %dma_start3A_106 = tpu.memref_slice %arg19[%mul3A_2, %dma_start3A_105] : memref<10112x128xf32, #tpu.memory_space<vmem_shared>> -> memref<632x128xf32, #tpu.memory_space<vmem_shared>>
      tpu.enqueue_dma source(%arg5 : memref<632x128xf32, #tpu.memory_space<hbm>>) target(%dma_start3A_106 : memref<632x128xf32, #tpu.memory_space<vmem_shared>>) target_semaphore(%run_scoped3A : memref<!tpu.dma_semaphore, #tpu.memory_space<semaphore_mem>>)
      %dma_wait3A_107 = arith.constant 0 : i32
      %dma_wait3A_108 = tpu.memref_slice %arg19[%mul3A_2, %dma_wait3A_107] : memref<10112x128xf32, #tpu.memory_space<vmem_shared>> -> memref<632x128xf32, #tpu.memory_space<vmem_shared>>
      tpu.wait_dma2 semaphore(%run_scoped3A : memref<!tpu.dma_semaphore, #tpu.memory_space<semaphore_mem>>) src(%arg5 : memref<632x128xf32, #tpu.memory_space<hbm>>) dst(%dma_wait3A_108 : memref<632x128xf32, #tpu.memory_space<vmem_shared>>)
      tpu.yield
    }) : () -> ()
    %barrier3A = arith.constant 0 : index
    tpu.barrier barrier_id(%barrier3A)
    %add3A_5 = arith.constant 0 : i32
    %add3A_6 = arith.addi %mul3A_4, %add3A_5 : i32
    %dma_start3A = tpu.memref_slice %arg3[%add3A_6] : memref<320000xi32, #tpu.memory_space<hbm>> -> memref<80xi32, #tpu.memory_space<hbm>>
    %dma_start3A_7 = tpu.memref_slice %arg3[%add3A_6] : memref<320000xi32, #tpu.memory_space<hbm>> -> memref<80xi32, #tpu.memory_space<hbm>>
    tpu.enqueue_dma source(%dma_start3A_7 : memref<80xi32, #tpu.memory_space<hbm>>) target(%arg7 : memref<80xi32, #tpu.memory_space<vmem>>) target_semaphore(%arg20 : memref<!tpu.dma_semaphore, #tpu.memory_space<semaphore_mem>>)
    %dma_start3A_8 = tpu.memref_slice %arg4[%add3A_6] : memref<320000xi32, #tpu.memory_space<hbm>> -> memref<80xi32, #tpu.memory_space<hbm>>
    %dma_start3A_9 = tpu.memref_slice %arg4[%add3A_6] : memref<320000xi32, #tpu.memory_space<hbm>> -> memref<80xi32, #tpu.memory_space<hbm>>
    tpu.enqueue_dma source(%dma_start3A_9 : memref<80xi32, #tpu.memory_space<hbm>>) target(%arg11 : memref<80xi32, #tpu.memory_space<vmem>>) target_semaphore(%arg20 : memref<!tpu.dma_semaphore, #tpu.memory_space<semaphore_mem>>)
    %add3A_10 = arith.constant 80 : i32
    %add3A_11 = arith.addi %mul3A_4, %add3A_10 : i32
    %dma_start3A_12 = tpu.memref_slice %arg3[%add3A_11] : memref<320000xi32, #tpu.memory_space<hbm>> -> memref<80xi32, #tpu.memory_space<hbm>>
    %dma_start3A_13 = tpu.memref_slice %arg3[%add3A_11] : memref<320000xi32, #tpu.memory_space<hbm>> -> memref<80xi32, #tpu.memory_space<hbm>>
    tpu.enqueue_dma source(%dma_start3A_13 : memref<80xi32, #tpu.memory_space<hbm>>) target(%arg8 : memref<80xi32, #tpu.memory_space<vmem>>) target_semaphore(%arg21 : memref<!tpu.dma_semaphore, #tpu.memory_space<semaphore_mem>>)
    %dma_start3A_14 = tpu.memref_slice %arg4[%add3A_11] : memref<320000xi32, #tpu.memory_space<hbm>> -> memref<80xi32, #tpu.memory_space<hbm>>
    %dma_start3A_15 = tpu.memref_slice %arg4[%add3A_11] : memref<320000xi32, #tpu.memory_space<hbm>> -> memref<80xi32, #tpu.memory_space<hbm>>
    tpu.enqueue_dma source(%dma_start3A_15 : memref<80xi32, #tpu.memory_space<hbm>>) target(%arg12 : memref<80xi32, #tpu.memory_space<vmem>>) target_semaphore(%arg21 : memref<!tpu.dma_semaphore, #tpu.memory_space<semaphore_mem>>)
    %add3A_16 = arith.constant 0 : i32
    %add3A_17 = arith.addi %mul3A_4, %add3A_16 : i32
    %dma_wait3A = tpu.memref_slice %arg3[%add3A_17] : memref<320000xi32, #tpu.memory_space<hbm>> -> memref<80xi32, #tpu.memory_space<hbm>>
    %dma_wait3A_18 = tpu.memref_slice %arg3[%add3A_17] : memref<320000xi32, #tpu.memory_space<hbm>> -> memref<80xi32, #tpu.memory_space<hbm>>
    tpu.wait_dma2 semaphore(%arg20 : memref<!tpu.dma_semaphore, #tpu.memory_space<semaphore_mem>>) src(%dma_wait3A_18 : memref<80xi32, #tpu.memory_space<hbm>>) dst(%arg7 : memref<80xi32, #tpu.memory_space<vmem>>)
    %dma_wait3A_19 = tpu.memref_slice %arg4[%add3A_17] : memref<320000xi32, #tpu.memory_space<hbm>> -> memref<80xi32, #tpu.memory_space<hbm>>
    %dma_wait3A_20 = tpu.memref_slice %arg4[%add3A_17] : memref<320000xi32, #tpu.memory_space<hbm>> -> memref<80xi32, #tpu.memory_space<hbm>>
    tpu.wait_dma2 semaphore(%arg20 : memref<!tpu.dma_semaphore, #tpu.memory_space<semaphore_mem>>) src(%dma_wait3A_20 : memref<80xi32, #tpu.memory_space<hbm>>) dst(%arg11 : memref<80xi32, #tpu.memory_space<vmem>>)
    %dma_start3A_21 = arith.constant 0 : i32
    %dma_start3A_22 = arith.constant 0 : i32
    %dma_start3A_23 = tpu.memref_slice %arg2[%dma_start3A_21, %dma_start3A_22] : memref<10000x128xf32, #tpu.memory_space<hbm>> -> memref<10000x128xf32, #tpu.memory_space<hbm>>
    tpu.enqueue_indirect_dma source(%dma_start3A_23 : memref<10000x128xf32, #tpu.memory_space<hbm>>) target(%arg15 : memref<80x128xf32, #tpu.memory_space<vmem>>) offsets(%arg7 : memref<80xi32, #tpu.memory_space<vmem>>) semaphore(%arg24 : memref<!tpu.dma_semaphore, #tpu.memory_space<semaphore_mem>>)
    %dma_wait3A_24 = arith.constant 0 : i32
    %dma_wait3A_25 = arith.constant 0 : i32
    %dma_wait3A_26 = tpu.memref_slice %arg2[%dma_wait3A_24, %dma_wait3A_25] : memref<10000x128xf32, #tpu.memory_space<hbm>> -> memref<10000x128xf32, #tpu.memory_space<hbm>>
    tpu.wait_indirect_dma semaphore(%arg24 : memref<!tpu.dma_semaphore, #tpu.memory_space<semaphore_mem>>) src(%dma_wait3A_26 : memref<10000x128xf32, #tpu.memory_space<hbm>>) dst(%arg15 : memref<80x128xf32, #tpu.memory_space<vmem>>)
    %dma_start3A_27 = arith.constant 0 : i32
    %dma_start3A_28 = arith.constant 0 : i32
    %dma_start3A_29 = tpu.memref_slice %arg19[%dma_start3A_27, %dma_start3A_28] : memref<10112x128xf32, #tpu.memory_space<vmem_shared>> -> memref<10112x128xf32, #tpu.memory_space<vmem_shared>>
    tpu.enqueue_indirect_dma source(%arg15 : memref<80x128xf32, #tpu.memory_space<vmem>>) target(%dma_start3A_29 : memref<10112x128xf32, #tpu.memory_space<vmem_shared>>) offsets(%arg11 : memref<80xi32, #tpu.memory_space<vmem>>) semaphore(%arg28 : memref<!tpu.dma_semaphore, #tpu.memory_space<semaphore_mem>>) {add = true}
    %add3A_30 = arith.constant 160 : i32
    %add3A_31 = arith.addi %mul3A_4, %add3A_30 : i32
    %dma_start3A_32 = tpu.memref_slice %arg3[%add3A_31] : memref<320000xi32, #tpu.memory_space<hbm>> -> memref<80xi32, #tpu.memory_space<hbm>>
    %dma_start3A_33 = tpu.memref_slice %arg3[%add3A_31] : memref<320000xi32, #tpu.memory_space<hbm>> -> memref<80xi32, #tpu.memory_space<hbm>>
    tpu.enqueue_dma source(%dma_start3A_33 : memref<80xi32, #tpu.memory_space<hbm>>) target(%arg9 : memref<80xi32, #tpu.memory_space<vmem>>) target_semaphore(%arg22 : memref<!tpu.dma_semaphore, #tpu.memory_space<semaphore_mem>>)
    %dma_start3A_34 = tpu.memref_slice %arg4[%add3A_31] : memref<320000xi32, #tpu.memory_space<hbm>> -> memref<80xi32, #tpu.memory_space<hbm>>
    %dma_start3A_35 = tpu.memref_slice %arg4[%add3A_31] : memref<320000xi32, #tpu.memory_space<hbm>> -> memref<80xi32, #tpu.memory_space<hbm>>
    tpu.enqueue_dma source(%dma_start3A_35 : memref<80xi32, #tpu.memory_space<hbm>>) target(%arg13 : memref<80xi32, #tpu.memory_space<vmem>>) target_semaphore(%arg22 : memref<!tpu.dma_semaphore, #tpu.memory_space<semaphore_mem>>)
    %add3A_36 = arith.constant 80 : i32
    %add3A_37 = arith.addi %mul3A_4, %add3A_36 : i32
    %dma_wait3A_38 = tpu.memref_slice %arg3[%add3A_37] : memref<320000xi32, #tpu.memory_space<hbm>> -> memref<80xi32, #tpu.memory_space<hbm>>
    %dma_wait3A_39 = tpu.memref_slice %arg3[%add3A_37] : memref<320000xi32, #tpu.memory_space<hbm>> -> memref<80xi32, #tpu.memory_space<hbm>>
    tpu.wait_dma2 semaphore(%arg21 : memref<!tpu.dma_semaphore, #tpu.memory_space<semaphore_mem>>) src(%dma_wait3A_39 : memref<80xi32, #tpu.memory_space<hbm>>) dst(%arg8 : memref<80xi32, #tpu.memory_space<vmem>>)
    %dma_wait3A_40 = tpu.memref_slice %arg4[%add3A_37] : memref<320000xi32, #tpu.memory_space<hbm>> -> memref<80xi32, #tpu.memory_space<hbm>>
    %dma_wait3A_41 = tpu.memref_slice %arg4[%add3A_37] : memref<320000xi32, #tpu.memory_space<hbm>> -> memref<80xi32, #tpu.memory_space<hbm>>
    tpu.wait_dma2 semaphore(%arg21 : memref<!tpu.dma_semaphore, #tpu.memory_space<semaphore_mem>>) src(%dma_wait3A_41 : memref<80xi32, #tpu.memory_space<hbm>>) dst(%arg12 : memref<80xi32, #tpu.memory_space<vmem>>)
    %dma_start3A_42 = arith.constant 0 : i32
    %dma_start3A_43 = arith.constant 0 : i32
    %dma_start3A_44 = tpu.memref_slice %arg2[%dma_start3A_42, %dma_start3A_43] : memref<10000x128xf32, #tpu.memory_space<hbm>> -> memref<10000x128xf32, #tpu.memory_space<hbm>>
    tpu.enqueue_indirect_dma source(%dma_start3A_44 : memref<10000x128xf32, #tpu.memory_space<hbm>>) target(%arg16 : memref<80x128xf32, #tpu.memory_space<vmem>>) offsets(%arg8 : memref<80xi32, #tpu.memory_space<vmem>>) semaphore(%arg25 : memref<!tpu.dma_semaphore, #tpu.memory_space<semaphore_mem>>)
    %dma_wait3A_45 = arith.constant 0 : i32
    %dma_wait3A_46 = arith.constant 0 : i32
    %dma_wait3A_47 = tpu.memref_slice %arg2[%dma_wait3A_45, %dma_wait3A_46] : memref<10000x128xf32, #tpu.memory_space<hbm>> -> memref<10000x128xf32, #tpu.memory_space<hbm>>
    tpu.wait_indirect_dma semaphore(%arg25 : memref<!tpu.dma_semaphore, #tpu.memory_space<semaphore_mem>>) src(%dma_wait3A_47 : memref<10000x128xf32, #tpu.memory_space<hbm>>) dst(%arg16 : memref<80x128xf32, #tpu.memory_space<vmem>>)
    %dma_start3A_48 = arith.constant 0 : i32
    %dma_start3A_49 = arith.constant 0 : i32
    %dma_start3A_50 = tpu.memref_slice %arg19[%dma_start3A_48, %dma_start3A_49] : memref<10112x128xf32, #tpu.memory_space<vmem_shared>> -> memref<10112x128xf32, #tpu.memory_space<vmem_shared>>
    tpu.enqueue_indirect_dma source(%arg16 : memref<80x128xf32, #tpu.memory_space<vmem>>) target(%dma_start3A_50 : memref<10112x128xf32, #tpu.memory_space<vmem_shared>>) offsets(%arg12 : memref<80xi32, #tpu.memory_space<vmem>>) semaphore(%arg29 : memref<!tpu.dma_semaphore, #tpu.memory_space<semaphore_mem>>) {add = true}
    %add3A_51 = arith.constant 240 : i32
    %add3A_52 = arith.addi %mul3A_4, %add3A_51 : i32
    %dma_start3A_53 = tpu.memref_slice %arg3[%add3A_52] : memref<320000xi32, #tpu.memory_space<hbm>> -> memref<80xi32, #tpu.memory_space<hbm>>
    %dma_start3A_54 = tpu.memref_slice %arg3[%add3A_52] : memref<320000xi32, #tpu.memory_space<hbm>> -> memref<80xi32, #tpu.memory_space<hbm>>
    tpu.enqueue_dma source(%dma_start3A_54 : memref<80xi32, #tpu.memory_space<hbm>>) target(%arg10 : memref<80xi32, #tpu.memory_space<vmem>>) target_semaphore(%arg23 : memref<!tpu.dma_semaphore, #tpu.memory_space<semaphore_mem>>)
    %dma_start3A_55 = tpu.memref_slice %arg4[%add3A_52] : memref<320000xi32, #tpu.memory_space<hbm>> -> memref<80xi32, #tpu.memory_space<hbm>>
    %dma_start3A_56 = tpu.memref_slice %arg4[%add3A_52] : memref<320000xi32, #tpu.memory_space<hbm>> -> memref<80xi32, #tpu.memory_space<hbm>>
    tpu.enqueue_dma source(%dma_start3A_56 : memref<80xi32, #tpu.memory_space<hbm>>) target(%arg14 : memref<80xi32, #tpu.memory_space<vmem>>) target_semaphore(%arg23 : memref<!tpu.dma_semaphore, #tpu.memory_space<semaphore_mem>>)
    %add3A_57 = arith.constant 160 : i32
    %add3A_58 = arith.addi %mul3A_4, %add3A_57 : i32
    %dma_wait3A_59 = tpu.memref_slice %arg3[%add3A_58] : memref<320000xi32, #tpu.memory_space<hbm>> -> memref<80xi32, #tpu.memory_space<hbm>>
    %dma_wait3A_60 = tpu.memref_slice %arg3[%add3A_58] : memref<320000xi32, #tpu.memory_space<hbm>> -> memref<80xi32, #tpu.memory_space<hbm>>
    tpu.wait_dma2 semaphore(%arg22 : memref<!tpu.dma_semaphore, #tpu.memory_space<semaphore_mem>>) src(%dma_wait3A_60 : memref<80xi32, #tpu.memory_space<hbm>>) dst(%arg9 : memref<80xi32, #tpu.memory_space<vmem>>)
    %dma_wait3A_61 = tpu.memref_slice %arg4[%add3A_58] : memref<320000xi32, #tpu.memory_space<hbm>> -> memref<80xi32, #tpu.memory_space<hbm>>
    %dma_wait3A_62 = tpu.memref_slice %arg4[%add3A_58] : memref<320000xi32, #tpu.memory_space<hbm>> -> memref<80xi32, #tpu.memory_space<hbm>>
    tpu.wait_dma2 semaphore(%arg22 : memref<!tpu.dma_semaphore, #tpu.memory_space<semaphore_mem>>) src(%dma_wait3A_62 : memref<80xi32, #tpu.memory_space<hbm>>) dst(%arg13 : memref<80xi32, #tpu.memory_space<vmem>>)
    %dma_start3A_63 = arith.constant 0 : i32
    %dma_start3A_64 = arith.constant 0 : i32
    %dma_start3A_65 = tpu.memref_slice %arg2[%dma_start3A_63, %dma_start3A_64] : memref<10000x128xf32, #tpu.memory_space<hbm>> -> memref<10000x128xf32, #tpu.memory_space<hbm>>
    tpu.enqueue_indirect_dma source(%dma_start3A_65 : memref<10000x128xf32, #tpu.memory_space<hbm>>) target(%arg17 : memref<80x128xf32, #tpu.memory_space<vmem>>) offsets(%arg9 : memref<80xi32, #tpu.memory_space<vmem>>) semaphore(%arg26 : memref<!tpu.dma_semaphore, #tpu.memory_space<semaphore_mem>>)
    %scan3A = arith.constant 0 : i32
    %scan3A_66 = arith.constant 2 : i32
    %scan3A_67 = arith.constant 121 : i32
    %scan3A_68 = arith.addi %scan3A_66, %scan3A_67 : i32
    %scan3A_69 = arith.constant 1 : i32
    scf.for %scan3A_105 = %scan3A_66 to %scan3A_68 step %scan3A_69  : i32 {
      %jit3A = arith.constant 4 : i32
      %eq3A = arith.constant 0 : i32
      %eq3A_106 = arith.cmpi eq, %jit3A, %eq3A : i32
      %jit3A_107 = arith.constant 1 : i32
      %select_n3A = arith.select %eq3A_106, %jit3A_107, %jit3A : i32
      %rem3A = arith.remsi %scan3A_105, %select_n3A : i32
      %ne3A = arith.constant 0 : i32
      %ne3A_108 = arith.cmpi ne, %rem3A, %ne3A : i32
      %lt3A = arith.constant 0 : i32
      %lt3A_109 = arith.cmpi slt, %rem3A, %lt3A : i32
      %lt3A_110 = arith.constant 0 : i32
      %lt3A_111 = arith.cmpi slt, %select_n3A, %lt3A_110 : i32
      %ne3A_112 = arith.xori %lt3A_109, %lt3A_111 : i1
      %and3A = arith.andi %ne3A_112, %ne3A_108 : i1
      %add3A_113 = arith.addi %rem3A, %select_n3A : i32
      %select_n3A_114 = arith.select %and3A, %add3A_113, %rem3A : i32
      %eq3A_115 = arith.constant 0 : i32
      %eq3A_116 = arith.cmpi eq, %select_n3A_114, %eq3A_115 : i32
      %convert_element_type3A = arith.extui %eq3A_116 : i1 to i32
      %cond3A = arith.constant 0 : i32
      %cond3A_117 = arith.cmpi ne, %convert_element_type3A, %cond3A : i32
      scf.if %cond3A_117 {
        %add3A_181 = arith.constant 1 : i32
        %add3A_182 = arith.addi %scan3A_105, %add3A_181 : i32
        %mul3A_183 = arith.constant 80 : i32
        %mul3A_184 = arith.muli %add3A_182, %mul3A_183 : i32
        %add3A_185 = arith.addi %mul3A_4, %mul3A_184 : i32
        %dma_wait3A_186 = tpu.memref_slice %arg3[%add3A_185] : memref<320000xi32, #tpu.memory_space<hbm>> -> memref<80xi32, #tpu.memory_space<hbm>>
        %dma_wait3A_187 = tpu.memref_slice %arg3[%add3A_185] : memref<320000xi32, #tpu.memory_space<hbm>> -> memref<80xi32, #tpu.memory_space<hbm>>
        tpu.wait_dma2 semaphore(%arg21 : memref<!tpu.dma_semaphore, #tpu.memory_space<semaphore_mem>>) src(%dma_wait3A_187 : memref<80xi32, #tpu.memory_space<hbm>>) dst(%arg8 : memref<80xi32, #tpu.memory_space<vmem>>)
        %dma_wait3A_188 = tpu.memref_slice %arg4[%add3A_185] : memref<320000xi32, #tpu.memory_space<hbm>> -> memref<80xi32, #tpu.memory_space<hbm>>
        %dma_wait3A_189 = tpu.memref_slice %arg4[%add3A_185] : memref<320000xi32, #tpu.memory_space<hbm>> -> memref<80xi32, #tpu.memory_space<hbm>>
        tpu.wait_dma2 semaphore(%arg21 : memref<!tpu.dma_semaphore, #tpu.memory_space<semaphore_mem>>) src(%dma_wait3A_189 : memref<80xi32, #tpu.memory_space<hbm>>) dst(%arg12 : memref<80xi32, #tpu.memory_space<vmem>>)
        %dma_start3A_190 = arith.constant 0 : i32
        %dma_start3A_191 = arith.constant 0 : i32
        %dma_start3A_192 = tpu.memref_slice %arg2[%dma_start3A_190, %dma_start3A_191] : memref<10000x128xf32, #tpu.memory_space<hbm>> -> memref<10000x128xf32, #tpu.memory_space<hbm>>
        tpu.enqueue_indirect_dma source(%dma_start3A_192 : memref<10000x128xf32, #tpu.memory_space<hbm>>) target(%arg16 : memref<80x128xf32, #tpu.memory_space<vmem>>) offsets(%arg8 : memref<80xi32, #tpu.memory_space<vmem>>) semaphore(%arg25 : memref<!tpu.dma_semaphore, #tpu.memory_space<semaphore_mem>>)
        %dma_wait3A_193 = arith.constant 0 : i32
        %dma_wait3A_194 = arith.constant 0 : i32
        %dma_wait3A_195 = tpu.memref_slice %arg2[%dma_wait3A_193, %dma_wait3A_194] : memref<10000x128xf32, #tpu.memory_space<hbm>> -> memref<10000x128xf32, #tpu.memory_space<hbm>>
        tpu.wait_indirect_dma semaphore(%arg24 : memref<!tpu.dma_semaphore, #tpu.memory_space<semaphore_mem>>) src(%dma_wait3A_195 : memref<10000x128xf32, #tpu.memory_space<hbm>>) dst(%arg15 : memref<80x128xf32, #tpu.memory_space<vmem>>)
        %dma_start3A_196 = arith.constant 0 : i32
        %dma_start3A_197 = arith.constant 0 : i32
        %dma_start3A_198 = tpu.memref_slice %arg19[%dma_start3A_196, %dma_start3A_197] : memref<10112x128xf32, #tpu.memory_space<vmem_shared>> -> memref<10112x128xf32, #tpu.memory_space<vmem_shared>>
        tpu.enqueue_indirect_dma source(%arg15 : memref<80x128xf32, #tpu.memory_space<vmem>>) target(%dma_start3A_198 : memref<10112x128xf32, #tpu.memory_space<vmem_shared>>) offsets(%arg11 : memref<80xi32, #tpu.memory_space<vmem>>) semaphore(%arg28 : memref<!tpu.dma_semaphore, #tpu.memory_space<semaphore_mem>>) {add = true}
        %dma_wait3A_199 = arith.constant 0 : i32
        %dma_wait3A_200 = arith.constant 0 : i32
        %dma_wait3A_201 = tpu.memref_slice %arg19[%dma_wait3A_199, %dma_wait3A_200] : memref<10112x128xf32, #tpu.memory_space<vmem_shared>> -> memref<10112x128xf32, #tpu.memory_space<vmem_shared>>
        tpu.wait_indirect_dma semaphore(%arg30 : memref<!tpu.dma_semaphore, #tpu.memory_space<semaphore_mem>>) src(%arg17 : memref<80x128xf32, #tpu.memory_space<vmem>>) dst(%dma_wait3A_201 : memref<10112x128xf32, #tpu.memory_space<vmem_shared>>)
        %add3A_202 = arith.constant 2 : i32
        %add3A_203 = arith.addi %scan3A_105, %add3A_202 : i32
        %mul3A_204 = arith.constant 80 : i32
        %mul3A_205 = arith.muli %add3A_203, %mul3A_204 : i32
        %add3A_206 = arith.addi %mul3A_4, %mul3A_205 : i32
        %dma_start3A_207 = tpu.memref_slice %arg3[%add3A_206] : memref<320000xi32, #tpu.memory_space<hbm>> -> memref<80xi32, #tpu.memory_space<hbm>>
        %dma_start3A_208 = tpu.memref_slice %arg3[%add3A_206] : memref<320000xi32, #tpu.memory_space<hbm>> -> memref<80xi32, #tpu.memory_space<hbm>>
        tpu.enqueue_dma source(%dma_start3A_208 : memref<80xi32, #tpu.memory_space<hbm>>) target(%arg9 : memref<80xi32, #tpu.memory_space<vmem>>) target_semaphore(%arg22 : memref<!tpu.dma_semaphore, #tpu.memory_space<semaphore_mem>>)
        %dma_start3A_209 = tpu.memref_slice %arg4[%add3A_206] : memref<320000xi32, #tpu.memory_space<hbm>> -> memref<80xi32, #tpu.memory_space<hbm>>
        %dma_start3A_210 = tpu.memref_slice %arg4[%add3A_206] : memref<320000xi32, #tpu.memory_space<hbm>> -> memref<80xi32, #tpu.memory_space<hbm>>
        tpu.enqueue_dma source(%dma_start3A_210 : memref<80xi32, #tpu.memory_space<hbm>>) target(%arg13 : memref<80xi32, #tpu.memory_space<vmem>>) target_semaphore(%arg22 : memref<!tpu.dma_semaphore, #tpu.memory_space<semaphore_mem>>)
      } else {
      }
      %jit3A_118 = arith.constant 4 : i32
      %eq3A_119 = arith.constant 0 : i32
      %eq3A_120 = arith.cmpi eq, %jit3A_118, %eq3A_119 : i32
      %jit3A_121 = arith.constant 1 : i32
      %select_n3A_122 = arith.select %eq3A_120, %jit3A_121, %jit3A_118 : i32
      %rem3A_123 = arith.remsi %scan3A_105, %select_n3A_122 : i32
      %ne3A_124 = arith.constant 0 : i32
      %ne3A_125 = arith.cmpi ne, %rem3A_123, %ne3A_124 : i32
      %lt3A_126 = arith.constant 0 : i32
      %lt3A_127 = arith.cmpi slt, %rem3A_123, %lt3A_126 : i32
      %lt3A_128 = arith.constant 0 : i32
      %lt3A_129 = arith.cmpi slt, %select_n3A_122, %lt3A_128 : i32
      %ne3A_130 = arith.xori %lt3A_127, %lt3A_129 : i1
      %and3A_131 = arith.andi %ne3A_130, %ne3A_125 : i1
      %add3A_132 = arith.addi %rem3A_123, %select_n3A_122 : i32
      %select_n3A_133 = arith.select %and3A_131, %add3A_132, %rem3A_123 : i32
      %eq3A_134 = arith.constant 1 : i32
      %eq3A_135 = arith.cmpi eq, %select_n3A_133, %eq3A_134 : i32
      %convert_element_type3A_136 = arith.extui %eq3A_135 : i1 to i32
      %cond3A_137 = arith.constant 0 : i32
      %cond3A_138 = arith.cmpi ne, %convert_element_type3A_136, %cond3A_137 : i32
      scf.if %cond3A_138 {
        %add3A_181 = arith.constant 1 : i32
        %add3A_182 = arith.addi %scan3A_105, %add3A_181 : i32
        %mul3A_183 = arith.constant 80 : i32
        %mul3A_184 = arith.muli %add3A_182, %mul3A_183 : i32
        %add3A_185 = arith.addi %mul3A_4, %mul3A_184 : i32
        %dma_wait3A_186 = tpu.memref_slice %arg3[%add3A_185] : memref<320000xi32, #tpu.memory_space<hbm>> -> memref<80xi32, #tpu.memory_space<hbm>>
        %dma_wait3A_187 = tpu.memref_slice %arg3[%add3A_185] : memref<320000xi32, #tpu.memory_space<hbm>> -> memref<80xi32, #tpu.memory_space<hbm>>
        tpu.wait_dma2 semaphore(%arg22 : memref<!tpu.dma_semaphore, #tpu.memory_space<semaphore_mem>>) src(%dma_wait3A_187 : memref<80xi32, #tpu.memory_space<hbm>>) dst(%arg9 : memref<80xi32, #tpu.memory_space<vmem>>)
        %dma_wait3A_188 = tpu.memref_slice %arg4[%add3A_185] : memref<320000xi32, #tpu.memory_space<hbm>> -> memref<80xi32, #tpu.memory_space<hbm>>
        %dma_wait3A_189 = tpu.memref_slice %arg4[%add3A_185] : memref<320000xi32, #tpu.memory_space<hbm>> -> memref<80xi32, #tpu.memory_space<hbm>>
        tpu.wait_dma2 semaphore(%arg22 : memref<!tpu.dma_semaphore, #tpu.memory_space<semaphore_mem>>) src(%dma_wait3A_189 : memref<80xi32, #tpu.memory_space<hbm>>) dst(%arg13 : memref<80xi32, #tpu.memory_space<vmem>>)
        %dma_start3A_190 = arith.constant 0 : i32
        %dma_start3A_191 = arith.constant 0 : i32
        %dma_start3A_192 = tpu.memref_slice %arg2[%dma_start3A_190, %dma_start3A_191] : memref<10000x128xf32, #tpu.memory_space<hbm>> -> memref<10000x128xf32, #tpu.memory_space<hbm>>
        tpu.enqueue_indirect_dma source(%dma_start3A_192 : memref<10000x128xf32, #tpu.memory_space<hbm>>) target(%arg17 : memref<80x128xf32, #tpu.memory_space<vmem>>) offsets(%arg9 : memref<80xi32, #tpu.memory_space<vmem>>) semaphore(%arg26 : memref<!tpu.dma_semaphore, #tpu.memory_space<semaphore_mem>>)
        %dma_wait3A_193 = arith.constant 0 : i32
        %dma_wait3A_194 = arith.constant 0 : i32
        %dma_wait3A_195 = tpu.memref_slice %arg2[%dma_wait3A_193, %dma_wait3A_194] : memref<10000x128xf32, #tpu.memory_space<hbm>> -> memref<10000x128xf32, #tpu.memory_space<hbm>>
        tpu.wait_indirect_dma semaphore(%arg25 : memref<!tpu.dma_semaphore, #tpu.memory_space<semaphore_mem>>) src(%dma_wait3A_195 : memref<10000x128xf32, #tpu.memory_space<hbm>>) dst(%arg16 : memref<80x128xf32, #tpu.memory_space<vmem>>)
        %dma_start3A_196 = arith.constant 0 : i32
        %dma_start3A_197 = arith.constant 0 : i32
        %dma_start3A_198 = tpu.memref_slice %arg19[%dma_start3A_196, %dma_start3A_197] : memref<10112x128xf32, #tpu.memory_space<vmem_shared>> -> memref<10112x128xf32, #tpu.memory_space<vmem_shared>>
        tpu.enqueue_indirect_dma source(%arg16 : memref<80x128xf32, #tpu.memory_space<vmem>>) target(%dma_start3A_198 : memref<10112x128xf32, #tpu.memory_space<vmem_shared>>) offsets(%arg12 : memref<80xi32, #tpu.memory_space<vmem>>) semaphore(%arg29 : memref<!tpu.dma_semaphore, #tpu.memory_space<semaphore_mem>>) {add = true}
        %dma_wait3A_199 = arith.constant 0 : i32
        %dma_wait3A_200 = arith.constant 0 : i32
        %dma_wait3A_201 = tpu.memref_slice %arg19[%dma_wait3A_199, %dma_wait3A_200] : memref<10112x128xf32, #tpu.memory_space<vmem_shared>> -> memref<10112x128xf32, #tpu.memory_space<vmem_shared>>
        tpu.wait_indirect_dma semaphore(%arg31 : memref<!tpu.dma_semaphore, #tpu.memory_space<semaphore_mem>>) src(%arg18 : memref<80x128xf32, #tpu.memory_space<vmem>>) dst(%dma_wait3A_201 : memref<10112x128xf32, #tpu.memory_space<vmem_shared>>)
        %add3A_202 = arith.constant 2 : i32
        %add3A_203 = arith.addi %scan3A_105, %add3A_202 : i32
        %mul3A_204 = arith.constant 80 : i32
        %mul3A_205 = arith.muli %add3A_203, %mul3A_204 : i32
        %add3A_206 = arith.addi %mul3A_4, %mul3A_205 : i32
        %dma_start3A_207 = tpu.memref_slice %arg3[%add3A_206] : memref<320000xi32, #tpu.memory_space<hbm>> -> memref<80xi32, #tpu.memory_space<hbm>>
        %dma_start3A_208 = tpu.memref_slice %arg3[%add3A_206] : memref<320000xi32, #tpu.memory_space<hbm>> -> memref<80xi32, #tpu.memory_space<hbm>>
        tpu.enqueue_dma source(%dma_start3A_208 : memref<80xi32, #tpu.memory_space<hbm>>) target(%arg10 : memref<80xi32, #tpu.memory_space<vmem>>) target_semaphore(%arg23 : memref<!tpu.dma_semaphore, #tpu.memory_space<semaphore_mem>>)
        %dma_start3A_209 = tpu.memref_slice %arg4[%add3A_206] : memref<320000xi32, #tpu.memory_space<hbm>> -> memref<80xi32, #tpu.memory_space<hbm>>
        %dma_start3A_210 = tpu.memref_slice %arg4[%add3A_206] : memref<320000xi32, #tpu.memory_space<hbm>> -> memref<80xi32, #tpu.memory_space<hbm>>
        tpu.enqueue_dma source(%dma_start3A_210 : memref<80xi32, #tpu.memory_space<hbm>>) target(%arg14 : memref<80xi32, #tpu.memory_space<vmem>>) target_semaphore(%arg23 : memref<!tpu.dma_semaphore, #tpu.memory_space<semaphore_mem>>)
      } else {
      }
      %jit3A_139 = arith.constant 4 : i32
      %eq3A_140 = arith.constant 0 : i32
      %eq3A_141 = arith.cmpi eq, %jit3A_139, %eq3A_140 : i32
      %jit3A_142 = arith.constant 1 : i32
      %select_n3A_143 = arith.select %eq3A_141, %jit3A_142, %jit3A_139 : i32
      %rem3A_144 = arith.remsi %scan3A_105, %select_n3A_143 : i32
      %ne3A_145 = arith.constant 0 : i32
      %ne3A_146 = arith.cmpi ne, %rem3A_144, %ne3A_145 : i32
      %lt3A_147 = arith.constant 0 : i32
      %lt3A_148 = arith.cmpi slt, %rem3A_144, %lt3A_147 : i32
      %lt3A_149 = arith.constant 0 : i32
      %lt3A_150 = arith.cmpi slt, %select_n3A_143, %lt3A_149 : i32
      %ne3A_151 = arith.xori %lt3A_148, %lt3A_150 : i1
      %and3A_152 = arith.andi %ne3A_151, %ne3A_146 : i1
      %add3A_153 = arith.addi %rem3A_144, %select_n3A_143 : i32
      %select_n3A_154 = arith.select %and3A_152, %add3A_153, %rem3A_144 : i32
      %eq3A_155 = arith.constant 2 : i32
      %eq3A_156 = arith.cmpi eq, %select_n3A_154, %eq3A_155 : i32
      %convert_element_type3A_157 = arith.extui %eq3A_156 : i1 to i32
      %cond3A_158 = arith.constant 0 : i32
      %cond3A_159 = arith.cmpi ne, %convert_element_type3A_157, %cond3A_158 : i32
      scf.if %cond3A_159 {
        %add3A_181 = arith.constant 1 : i32
        %add3A_182 = arith.addi %scan3A_105, %add3A_181 : i32
        %mul3A_183 = arith.constant 80 : i32
        %mul3A_184 = arith.muli %add3A_182, %mul3A_183 : i32
        %add3A_185 = arith.addi %mul3A_4, %mul3A_184 : i32
        %dma_wait3A_186 = tpu.memref_slice %arg3[%add3A_185] : memref<320000xi32, #tpu.memory_space<hbm>> -> memref<80xi32, #tpu.memory_space<hbm>>
        %dma_wait3A_187 = tpu.memref_slice %arg3[%add3A_185] : memref<320000xi32, #tpu.memory_space<hbm>> -> memref<80xi32, #tpu.memory_space<hbm>>
        tpu.wait_dma2 semaphore(%arg23 : memref<!tpu.dma_semaphore, #tpu.memory_space<semaphore_mem>>) src(%dma_wait3A_187 : memref<80xi32, #tpu.memory_space<hbm>>) dst(%arg10 : memref<80xi32, #tpu.memory_space<vmem>>)
        %dma_wait3A_188 = tpu.memref_slice %arg4[%add3A_185] : memref<320000xi32, #tpu.memory_space<hbm>> -> memref<80xi32, #tpu.memory_space<hbm>>
        %dma_wait3A_189 = tpu.memref_slice %arg4[%add3A_185] : memref<320000xi32, #tpu.memory_space<hbm>> -> memref<80xi32, #tpu.memory_space<hbm>>
        tpu.wait_dma2 semaphore(%arg23 : memref<!tpu.dma_semaphore, #tpu.memory_space<semaphore_mem>>) src(%dma_wait3A_189 : memref<80xi32, #tpu.memory_space<hbm>>) dst(%arg14 : memref<80xi32, #tpu.memory_space<vmem>>)
        %dma_start3A_190 = arith.constant 0 : i32
        %dma_start3A_191 = arith.constant 0 : i32
        %dma_start3A_192 = tpu.memref_slice %arg2[%dma_start3A_190, %dma_start3A_191] : memref<10000x128xf32, #tpu.memory_space<hbm>> -> memref<10000x128xf32, #tpu.memory_space<hbm>>
        tpu.enqueue_indirect_dma source(%dma_start3A_192 : memref<10000x128xf32, #tpu.memory_space<hbm>>) target(%arg18 : memref<80x128xf32, #tpu.memory_space<vmem>>) offsets(%arg10 : memref<80xi32, #tpu.memory_space<vmem>>) semaphore(%arg27 : memref<!tpu.dma_semaphore, #tpu.memory_space<semaphore_mem>>)
        %dma_wait3A_193 = arith.constant 0 : i32
        %dma_wait3A_194 = arith.constant 0 : i32
        %dma_wait3A_195 = tpu.memref_slice %arg2[%dma_wait3A_193, %dma_wait3A_194] : memref<10000x128xf32, #tpu.memory_space<hbm>> -> memref<10000x128xf32, #tpu.memory_space<hbm>>
        tpu.wait_indirect_dma semaphore(%arg26 : memref<!tpu.dma_semaphore, #tpu.memory_space<semaphore_mem>>) src(%dma_wait3A_195 : memref<10000x128xf32, #tpu.memory_space<hbm>>) dst(%arg17 : memref<80x128xf32, #tpu.memory_space<vmem>>)
        %dma_start3A_196 = arith.constant 0 : i32
        %dma_start3A_197 = arith.constant 0 : i32
        %dma_start3A_198 = tpu.memref_slice %arg19[%dma_start3A_196, %dma_start3A_197] : memref<10112x128xf32, #tpu.memory_space<vmem_shared>> -> memref<10112x128xf32, #tpu.memory_space<vmem_shared>>
        tpu.enqueue_indirect_dma source(%arg17 : memref<80x128xf32, #tpu.memory_space<vmem>>) target(%dma_start3A_198 : memref<10112x128xf32, #tpu.memory_space<vmem_shared>>) offsets(%arg13 : memref<80xi32, #tpu.memory_space<vmem>>) semaphore(%arg30 : memref<!tpu.dma_semaphore, #tpu.memory_space<semaphore_mem>>) {add = true}
        %dma_wait3A_199 = arith.constant 0 : i32
        %dma_wait3A_200 = arith.constant 0 : i32
        %dma_wait3A_201 = tpu.memref_slice %arg19[%dma_wait3A_199, %dma_wait3A_200] : memref<10112x128xf32, #tpu.memory_space<vmem_shared>> -> memref<10112x128xf32, #tpu.memory_space<vmem_shared>>
        tpu.wait_indirect_dma semaphore(%arg28 : memref<!tpu.dma_semaphore, #tpu.memory_space<semaphore_mem>>) src(%arg15 : memref<80x128xf32, #tpu.memory_space<vmem>>) dst(%dma_wait3A_201 : memref<10112x128xf32, #tpu.memory_space<vmem_shared>>)
        %add3A_202 = arith.constant 2 : i32
        %add3A_203 = arith.addi %scan3A_105, %add3A_202 : i32
        %mul3A_204 = arith.constant 80 : i32
        %mul3A_205 = arith.muli %add3A_203, %mul3A_204 : i32
        %add3A_206 = arith.addi %mul3A_4, %mul3A_205 : i32
        %dma_start3A_207 = tpu.memref_slice %arg3[%add3A_206] : memref<320000xi32, #tpu.memory_space<hbm>> -> memref<80xi32, #tpu.memory_space<hbm>>
        %dma_start3A_208 = tpu.memref_slice %arg3[%add3A_206] : memref<320000xi32, #tpu.memory_space<hbm>> -> memref<80xi32, #tpu.memory_space<hbm>>
        tpu.enqueue_dma source(%dma_start3A_208 : memref<80xi32, #tpu.memory_space<hbm>>) target(%arg7 : memref<80xi32, #tpu.memory_space<vmem>>) target_semaphore(%arg20 : memref<!tpu.dma_semaphore, #tpu.memory_space<semaphore_mem>>)
        %dma_start3A_209 = tpu.memref_slice %arg4[%add3A_206] : memref<320000xi32, #tpu.memory_space<hbm>> -> memref<80xi32, #tpu.memory_space<hbm>>
        %dma_start3A_210 = tpu.memref_slice %arg4[%add3A_206] : memref<320000xi32, #tpu.memory_space<hbm>> -> memref<80xi32, #tpu.memory_space<hbm>>
        tpu.enqueue_dma source(%dma_start3A_210 : memref<80xi32, #tpu.memory_space<hbm>>) target(%arg11 : memref<80xi32, #tpu.memory_space<vmem>>) target_semaphore(%arg20 : memref<!tpu.dma_semaphore, #tpu.memory_space<semaphore_mem>>)
      } else {
      }
      %jit3A_160 = arith.constant 4 : i32
      %eq3A_161 = arith.constant 0 : i32
      %eq3A_162 = arith.cmpi eq, %jit3A_160, %eq3A_161 : i32
      %jit3A_163 = arith.constant 1 : i32
      %select_n3A_164 = arith.select %eq3A_162, %jit3A_163, %jit3A_160 : i32
      %rem3A_165 = arith.remsi %scan3A_105, %select_n3A_164 : i32
      %ne3A_166 = arith.constant 0 : i32
      %ne3A_167 = arith.cmpi ne, %rem3A_165, %ne3A_166 : i32
      %lt3A_168 = arith.constant 0 : i32
      %lt3A_169 = arith.cmpi slt, %rem3A_165, %lt3A_168 : i32
      %lt3A_170 = arith.constant 0 : i32
      %lt3A_171 = arith.cmpi slt, %select_n3A_164, %lt3A_170 : i32
      %ne3A_172 = arith.xori %lt3A_169, %lt3A_171 : i1
      %and3A_173 = arith.andi %ne3A_172, %ne3A_167 : i1
      %add3A_174 = arith.addi %rem3A_165, %select_n3A_164 : i32
      %select_n3A_175 = arith.select %and3A_173, %add3A_174, %rem3A_165 : i32
      %eq3A_176 = arith.constant 3 : i32
      %eq3A_177 = arith.cmpi eq, %select_n3A_175, %eq3A_176 : i32
      %convert_element_type3A_178 = arith.extui %eq3A_177 : i1 to i32
      %cond3A_179 = arith.constant 0 : i32
      %cond3A_180 = arith.cmpi ne, %convert_element_type3A_178, %cond3A_179 : i32
      scf.if %cond3A_180 {
        %add3A_181 = arith.constant 1 : i32
        %add3A_182 = arith.addi %scan3A_105, %add3A_181 : i32
        %mul3A_183 = arith.constant 80 : i32
        %mul3A_184 = arith.muli %add3A_182, %mul3A_183 : i32
        %add3A_185 = arith.addi %mul3A_4, %mul3A_184 : i32
        %dma_wait3A_186 = tpu.memref_slice %arg3[%add3A_185] : memref<320000xi32, #tpu.memory_space<hbm>> -> memref<80xi32, #tpu.memory_space<hbm>>
        %dma_wait3A_187 = tpu.memref_slice %arg3[%add3A_185] : memref<320000xi32, #tpu.memory_space<hbm>> -> memref<80xi32, #tpu.memory_space<hbm>>
        tpu.wait_dma2 semaphore(%arg20 : memref<!tpu.dma_semaphore, #tpu.memory_space<semaphore_mem>>) src(%dma_wait3A_187 : memref<80xi32, #tpu.memory_space<hbm>>) dst(%arg7 : memref<80xi32, #tpu.memory_space<vmem>>)
        %dma_wait3A_188 = tpu.memref_slice %arg4[%add3A_185] : memref<320000xi32, #tpu.memory_space<hbm>> -> memref<80xi32, #tpu.memory_space<hbm>>
        %dma_wait3A_189 = tpu.memref_slice %arg4[%add3A_185] : memref<320000xi32, #tpu.memory_space<hbm>> -> memref<80xi32, #tpu.memory_space<hbm>>
        tpu.wait_dma2 semaphore(%arg20 : memref<!tpu.dma_semaphore, #tpu.memory_space<semaphore_mem>>) src(%dma_wait3A_189 : memref<80xi32, #tpu.memory_space<hbm>>) dst(%arg11 : memref<80xi32, #tpu.memory_space<vmem>>)
        %dma_start3A_190 = arith.constant 0 : i32
        %dma_start3A_191 = arith.constant 0 : i32
        %dma_start3A_192 = tpu.memref_slice %arg2[%dma_start3A_190, %dma_start3A_191] : memref<10000x128xf32, #tpu.memory_space<hbm>> -> memref<10000x128xf32, #tpu.memory_space<hbm>>
        tpu.enqueue_indirect_dma source(%dma_start3A_192 : memref<10000x128xf32, #tpu.memory_space<hbm>>) target(%arg15 : memref<80x128xf32, #tpu.memory_space<vmem>>) offsets(%arg7 : memref<80xi32, #tpu.memory_space<vmem>>) semaphore(%arg24 : memref<!tpu.dma_semaphore, #tpu.memory_space<semaphore_mem>>)
        %dma_wait3A_193 = arith.constant 0 : i32
        %dma_wait3A_194 = arith.constant 0 : i32
        %dma_wait3A_195 = tpu.memref_slice %arg2[%dma_wait3A_193, %dma_wait3A_194] : memref<10000x128xf32, #tpu.memory_space<hbm>> -> memref<10000x128xf32, #tpu.memory_space<hbm>>
        tpu.wait_indirect_dma semaphore(%arg27 : memref<!tpu.dma_semaphore, #tpu.memory_space<semaphore_mem>>) src(%dma_wait3A_195 : memref<10000x128xf32, #tpu.memory_space<hbm>>) dst(%arg18 : memref<80x128xf32, #tpu.memory_space<vmem>>)
        %dma_start3A_196 = arith.constant 0 : i32
        %dma_start3A_197 = arith.constant 0 : i32
        %dma_start3A_198 = tpu.memref_slice %arg19[%dma_start3A_196, %dma_start3A_197] : memref<10112x128xf32, #tpu.memory_space<vmem_shared>> -> memref<10112x128xf32, #tpu.memory_space<vmem_shared>>
        tpu.enqueue_indirect_dma source(%arg18 : memref<80x128xf32, #tpu.memory_space<vmem>>) target(%dma_start3A_198 : memref<10112x128xf32, #tpu.memory_space<vmem_shared>>) offsets(%arg14 : memref<80xi32, #tpu.memory_space<vmem>>) semaphore(%arg31 : memref<!tpu.dma_semaphore, #tpu.memory_space<semaphore_mem>>) {add = true}
        %dma_wait3A_199 = arith.constant 0 : i32
        %dma_wait3A_200 = arith.constant 0 : i32
        %dma_wait3A_201 = tpu.memref_slice %arg19[%dma_wait3A_199, %dma_wait3A_200] : memref<10112x128xf32, #tpu.memory_space<vmem_shared>> -> memref<10112x128xf32, #tpu.memory_space<vmem_shared>>
        tpu.wait_indirect_dma semaphore(%arg29 : memref<!tpu.dma_semaphore, #tpu.memory_space<semaphore_mem>>) src(%arg16 : memref<80x128xf32, #tpu.memory_space<vmem>>) dst(%dma_wait3A_201 : memref<10112x128xf32, #tpu.memory_space<vmem_shared>>)
        %add3A_202 = arith.constant 2 : i32
        %add3A_203 = arith.addi %scan3A_105, %add3A_202 : i32
        %mul3A_204 = arith.constant 80 : i32
        %mul3A_205 = arith.muli %add3A_203, %mul3A_204 : i32
        %add3A_206 = arith.addi %mul3A_4, %mul3A_205 : i32
        %dma_start3A_207 = tpu.memref_slice %arg3[%add3A_206] : memref<320000xi32, #tpu.memory_space<hbm>> -> memref<80xi32, #tpu.memory_space<hbm>>
        %dma_start3A_208 = tpu.memref_slice %arg3[%add3A_206] : memref<320000xi32, #tpu.memory_space<hbm>> -> memref<80xi32, #tpu.memory_space<hbm>>
        tpu.enqueue_dma source(%dma_start3A_208 : memref<80xi32, #tpu.memory_space<hbm>>) target(%arg8 : memref<80xi32, #tpu.memory_space<vmem>>) target_semaphore(%arg21 : memref<!tpu.dma_semaphore, #tpu.memory_space<semaphore_mem>>)
        %dma_start3A_209 = tpu.memref_slice %arg4[%add3A_206] : memref<320000xi32, #tpu.memory_space<hbm>> -> memref<80xi32, #tpu.memory_space<hbm>>
        %dma_start3A_210 = tpu.memref_slice %arg4[%add3A_206] : memref<320000xi32, #tpu.memory_space<hbm>> -> memref<80xi32, #tpu.memory_space<hbm>>
        tpu.enqueue_dma source(%dma_start3A_210 : memref<80xi32, #tpu.memory_space<hbm>>) target(%arg12 : memref<80xi32, #tpu.memory_space<vmem>>) target_semaphore(%arg21 : memref<!tpu.dma_semaphore, #tpu.memory_space<semaphore_mem>>)
      } else {
      }
    }
    %scan3A_70 = arith.constant 121 : i32
    %dma_wait3A_71 = arith.constant 0 : i32
    %dma_wait3A_72 = arith.constant 0 : i32
    %dma_wait3A_73 = tpu.memref_slice %arg2[%dma_wait3A_71, %dma_wait3A_72] : memref<10000x128xf32, #tpu.memory_space<hbm>> -> memref<10000x128xf32, #tpu.memory_space<hbm>>
    tpu.wait_indirect_dma semaphore(%arg27 : memref<!tpu.dma_semaphore, #tpu.memory_space<semaphore_mem>>) src(%dma_wait3A_73 : memref<10000x128xf32, #tpu.memory_space<hbm>>) dst(%arg18 : memref<80x128xf32, #tpu.memory_space<vmem>>)
    %dma_start3A_74 = arith.constant 0 : i32
    %dma_start3A_75 = arith.constant 0 : i32
    %dma_start3A_76 = tpu.memref_slice %arg19[%dma_start3A_74, %dma_start3A_75] : memref<10112x128xf32, #tpu.memory_space<vmem_shared>> -> memref<10112x128xf32, #tpu.memory_space<vmem_shared>>
    tpu.enqueue_indirect_dma source(%arg18 : memref<80x128xf32, #tpu.memory_space<vmem>>) target(%dma_start3A_76 : memref<10112x128xf32, #tpu.memory_space<vmem_shared>>) offsets(%arg14 : memref<80xi32, #tpu.memory_space<vmem>>) semaphore(%arg31 : memref<!tpu.dma_semaphore, #tpu.memory_space<semaphore_mem>>) {add = true}
    %dma_wait3A_77 = arith.constant 0 : i32
    %dma_wait3A_78 = arith.constant 0 : i32
    %dma_wait3A_79 = tpu.memref_slice %arg19[%dma_wait3A_77, %dma_wait3A_78] : memref<10112x128xf32, #tpu.memory_space<vmem_shared>> -> memref<10112x128xf32, #tpu.memory_space<vmem_shared>>
    tpu.wait_indirect_dma semaphore(%arg29 : memref<!tpu.dma_semaphore, #tpu.memory_space<semaphore_mem>>) src(%arg16 : memref<80x128xf32, #tpu.memory_space<vmem>>) dst(%dma_wait3A_79 : memref<10112x128xf32, #tpu.memory_space<vmem_shared>>)
    %add3A_80 = arith.constant 9920 : i32
    %add3A_81 = arith.addi %mul3A_4, %add3A_80 : i32
    %dma_wait3A_82 = tpu.memref_slice %arg3[%add3A_81] : memref<320000xi32, #tpu.memory_space<hbm>> -> memref<80xi32, #tpu.memory_space<hbm>>
    %dma_wait3A_83 = tpu.memref_slice %arg3[%add3A_81] : memref<320000xi32, #tpu.memory_space<hbm>> -> memref<80xi32, #tpu.memory_space<hbm>>
    tpu.wait_dma2 semaphore(%arg20 : memref<!tpu.dma_semaphore, #tpu.memory_space<semaphore_mem>>) src(%dma_wait3A_83 : memref<80xi32, #tpu.memory_space<hbm>>) dst(%arg7 : memref<80xi32, #tpu.memory_space<vmem>>)
    %dma_wait3A_84 = tpu.memref_slice %arg4[%add3A_81] : memref<320000xi32, #tpu.memory_space<hbm>> -> memref<80xi32, #tpu.memory_space<hbm>>
    %dma_wait3A_85 = tpu.memref_slice %arg4[%add3A_81] : memref<320000xi32, #tpu.memory_space<hbm>> -> memref<80xi32, #tpu.memory_space<hbm>>
    tpu.wait_dma2 semaphore(%arg20 : memref<!tpu.dma_semaphore, #tpu.memory_space<semaphore_mem>>) src(%dma_wait3A_85 : memref<80xi32, #tpu.memory_space<hbm>>) dst(%arg11 : memref<80xi32, #tpu.memory_space<vmem>>)
    %dma_start3A_86 = arith.constant 0 : i32
    %dma_start3A_87 = arith.constant 0 : i32
    %dma_start3A_88 = tpu.memref_slice %arg2[%dma_start3A_86, %dma_start3A_87] : memref<10000x128xf32, #tpu.memory_space<hbm>> -> memref<10000x128xf32, #tpu.memory_space<hbm>>
    tpu.enqueue_indirect_dma source(%dma_start3A_88 : memref<10000x128xf32, #tpu.memory_space<hbm>>) target(%arg15 : memref<80x128xf32, #tpu.memory_space<vmem>>) offsets(%arg7 : memref<80xi32, #tpu.memory_space<vmem>>) semaphore(%arg24 : memref<!tpu.dma_semaphore, #tpu.memory_space<semaphore_mem>>)
    %dma_wait3A_89 = arith.constant 0 : i32
    %dma_wait3A_90 = arith.constant 0 : i32
    %dma_wait3A_91 = tpu.memref_slice %arg2[%dma_wait3A_89, %dma_wait3A_90] : memref<10000x128xf32, #tpu.memory_space<hbm>> -> memref<10000x128xf32, #tpu.memory_space<hbm>>
    tpu.wait_indirect_dma semaphore(%arg24 : memref<!tpu.dma_semaphore, #tpu.memory_space<semaphore_mem>>) src(%dma_wait3A_91 : memref<10000x128xf32, #tpu.memory_space<hbm>>) dst(%arg15 : memref<80x128xf32, #tpu.memory_space<vmem>>)
    %dma_start3A_92 = arith.constant 0 : i32
    %dma_start3A_93 = arith.constant 0 : i32
    %dma_start3A_94 = tpu.memref_slice %arg19[%dma_start3A_92, %dma_start3A_93] : memref<10112x128xf32, #tpu.memory_space<vmem_shared>> -> memref<10112x128xf32, #tpu.memory_space<vmem_shared>>
    tpu.enqueue_indirect_dma source(%arg15 : memref<80x128xf32, #tpu.memory_space<vmem>>) target(%dma_start3A_94 : memref<10112x128xf32, #tpu.memory_space<vmem_shared>>) offsets(%arg11 : memref<80xi32, #tpu.memory_space<vmem>>) semaphore(%arg28 : memref<!tpu.dma_semaphore, #tpu.memory_space<semaphore_mem>>) {add = true}
    %dma_wait3A_95 = arith.constant 0 : i32
    %dma_wait3A_96 = arith.constant 0 : i32
    %dma_wait3A_97 = tpu.memref_slice %arg19[%dma_wait3A_95, %dma_wait3A_96] : memref<10112x128xf32, #tpu.memory_space<vmem_shared>> -> memref<10112x128xf32, #tpu.memory_space<vmem_shared>>
    tpu.wait_indirect_dma semaphore(%arg30 : memref<!tpu.dma_semaphore, #tpu.memory_space<semaphore_mem>>) src(%arg17 : memref<80x128xf32, #tpu.memory_space<vmem>>) dst(%dma_wait3A_97 : memref<10112x128xf32, #tpu.memory_space<vmem_shared>>)
    %dma_wait3A_98 = arith.constant 0 : i32
    %dma_wait3A_99 = arith.constant 0 : i32
    %dma_wait3A_100 = tpu.memref_slice %arg19[%dma_wait3A_98, %dma_wait3A_99] : memref<10112x128xf32, #tpu.memory_space<vmem_shared>> -> memref<10112x128xf32, #tpu.memory_space<vmem_shared>>
    tpu.wait_indirect_dma semaphore(%arg31 : memref<!tpu.dma_semaphore, #tpu.memory_space<semaphore_mem>>) src(%arg18 : memref<80x128xf32, #tpu.memory_space<vmem>>) dst(%dma_wait3A_100 : memref<10112x128xf32, #tpu.memory_space<vmem_shared>>)
    %dma_wait3A_101 = arith.constant 0 : i32
    %dma_wait3A_102 = arith.constant 0 : i32
    %dma_wait3A_103 = tpu.memref_slice %arg19[%dma_wait3A_101, %dma_wait3A_102] : memref<10112x128xf32, #tpu.memory_space<vmem_shared>> -> memref<10112x128xf32, #tpu.memory_space<vmem_shared>>
    tpu.wait_indirect_dma semaphore(%arg28 : memref<!tpu.dma_semaphore, #tpu.memory_space<semaphore_mem>>) src(%arg15 : memref<80x128xf32, #tpu.memory_space<vmem>>) dst(%dma_wait3A_103 : memref<10112x128xf32, #tpu.memory_space<vmem_shared>>)
    %barrier3A_104 = arith.constant 0 : index
    tpu.barrier barrier_id(%barrier3A_104)
    "tpu.region"() ({
      %run_scoped3A = tpu.sem_alloc : memref<!tpu.dma_semaphore, #tpu.memory_space<semaphore_mem>>
      %dma_start3A_105 = arith.constant 0 : i32
      %dma_start3A_106 = tpu.memref_slice %arg6[%arg0, %mul3A_2, %dma_start3A_105] : memref<2x10112x128xf32, #tpu.memory_space<hbm>> -> memref<1x632x128xf32, #tpu.memory_space<hbm>>
      %dma_start3A_107 = tpu.memref_squeeze %dma_start3A_106 : memref<1x632x128xf32, #tpu.memory_space<hbm>> -> memref<632x128xf32, #tpu.memory_space<hbm>>
      %dma_start3A_108 = arith.constant 0 : i32
      %dma_start3A_109 = tpu.memref_slice %arg19[%mul3A_2, %dma_start3A_108] : memref<10112x128xf32, #tpu.memory_space<vmem_shared>> -> memref<632x128xf32, #tpu.memory_space<vmem_shared>>
      tpu.enqueue_dma source(%dma_start3A_109 : memref<632x128xf32, #tpu.memory_space<vmem_shared>>) target(%dma_start3A_107 : memref<632x128xf32, #tpu.memory_space<hbm>>) target_semaphore(%run_scoped3A : memref<!tpu.dma_semaphore, #tpu.memory_space<semaphore_mem>>)
      %dma_wait3A_110 = arith.constant 0 : i32
      %dma_wait3A_111 = tpu.memref_slice %arg6[%arg0, %mul3A_2, %dma_wait3A_110] : memref<2x10112x128xf32, #tpu.memory_space<hbm>> -> memref<1x632x128xf32, #tpu.memory_space<hbm>>
      %dma_wait3A_112 = tpu.memref_squeeze %dma_wait3A_111 : memref<1x632x128xf32, #tpu.memory_space<hbm>> -> memref<632x128xf32, #tpu.memory_space<hbm>>
      %dma_wait3A_113 = arith.constant 0 : i32
      %dma_wait3A_114 = tpu.memref_slice %arg19[%mul3A_2, %dma_wait3A_113] : memref<10112x128xf32, #tpu.memory_space<vmem_shared>> -> memref<632x128xf32, #tpu.memory_space<vmem_shared>>
      tpu.wait_dma2 semaphore(%run_scoped3A : memref<!tpu.dma_semaphore, #tpu.memory_space<semaphore_mem>>) src(%dma_wait3A_114 : memref<632x128xf32, #tpu.memory_space<vmem_shared>>) dst(%dma_wait3A_112 : memref<632x128xf32, #tpu.memory_space<hbm>>)
      tpu.yield
    }) : () -> ()
    return
  }
}

module attributes {stable_mosaic.version = 14 : i64} {
  func.func @_tc_mid_body(%arg0: memref<2x10112x128xf32, #tpu.memory_space<vmem>>, %arg1: memref<10000x1xf32, #tpu.memory_space<vmem>>, %arg2: memref<1x128xf32, #tpu.memory_space<vmem>>, %arg3: memref<128x128xf32, #tpu.memory_space<vmem>>, %arg4: memref<10000x128xf32, #tpu.memory_space<vmem>>) attributes {dimension_semantics = [], scalar_prefetch = 0 : i64, scratch_operands = 0 : i64, tpu.core_type = #tpu.core_type<tc>} {
    %get3A = arith.constant 0 : index
    %get3A_0 = arith.constant 0 : index
    %get3A_1 = arith.constant 0 : index
    %get3A_2 = vector.load %arg0[%get3A, %get3A_0, %get3A_1] : memref<2x10112x128xf32, #tpu.memory_space<vmem>>, vector<1x10000x128xf32>
    %get3A_3 = vector.shape_cast %get3A_2 : vector<1x10000x128xf32> to vector<10000x128xf32>
    %get3A_4 = arith.constant 1 : index
    %get3A_5 = arith.constant 0 : index
    %get3A_6 = arith.constant 0 : index
    %get3A_7 = vector.load %arg0[%get3A_4, %get3A_5, %get3A_6] : memref<2x10112x128xf32, #tpu.memory_space<vmem>>, vector<1x10000x128xf32>
    %get3A_8 = vector.shape_cast %get3A_7 : vector<1x10000x128xf32> to vector<10000x128xf32>
    %add3A = arith.addf %get3A_3, %get3A_8 : vector<10000x128xf32>
    %get3A_9 = arith.constant 0 : index
    %get3A_10 = arith.constant 0 : index
    %get3A_11 = vector.load %arg1[%get3A_9, %get3A_10] : memref<10000x1xf32, #tpu.memory_space<vmem>>, vector<10000x1xf32>
    %mul3A = vector.broadcast %get3A_11 : vector<10000x1xf32> to vector<10000x128xf32>
    %mul3A_12 = arith.mulf %mul3A, %add3A : vector<10000x128xf32>
    %get3A_13 = arith.constant 0 : index
    %get3A_14 = arith.constant 0 : index
    %get3A_15 = vector.load %arg2[%get3A_13, %get3A_14] : memref<1x128xf32, #tpu.memory_space<vmem>>, vector<1x128xf32>
    %add3A_16 = vector.broadcast %get3A_15 : vector<1x128xf32> to vector<10000x128xf32>
    %add3A_17 = arith.addf %mul3A_12, %add3A_16 : vector<10000x128xf32>
    %max3A = arith.constant 0.000000e+00 : f32
    %max3A_18 = vector.broadcast %max3A : f32 to vector<10000x128xf32>
    %max3A_19 = arith.maximumf %add3A_17, %max3A_18 : vector<10000x128xf32>
    %get3A_20 = arith.constant 0 : index
    %get3A_21 = arith.constant 0 : index
    %get3A_22 = vector.load %arg1[%get3A_20, %get3A_21] : memref<10000x1xf32, #tpu.memory_space<vmem>>, vector<10000x1xf32>
    %get3A_23 = arith.constant 0 : index
    %get3A_24 = arith.constant 0 : index
    %get3A_25 = vector.load %arg3[%get3A_23, %get3A_24] : memref<128x128xf32, #tpu.memory_space<vmem>>, vector<128x128xf32>
    %dot_general3A = arith.constant dense<0.000000e+00> : vector<10000x128xf32>
    %dot_general3A_26 = tpu.matmul %max3A_19, %get3A_25, %dot_general3A {dimension_numbers = #tpu.dot_dimension_numbers<[1], [0], [0], [1], [0, 0, 1, 1], [], []>, transpose_lhs_hint = false} : vector<10000x128xf32>, vector<128x128xf32>, vector<10000x128xf32> -> vector<10000x128xf32>
    %mul3A_27 = vector.broadcast %get3A_22 : vector<10000x1xf32> to vector<10000x128xf32>
    %mul3A_28 = arith.mulf %mul3A_27, %dot_general3A_26 : vector<10000x128xf32>
    %swap3A = arith.constant 0 : index
    %swap3A_29 = arith.constant 0 : index
    %swap3A_30 = vector.load %arg4[%swap3A, %swap3A_29] : memref<10000x128xf32, #tpu.memory_space<vmem>>, vector<10000x128xf32>
    tpu.vector_store %arg4[%swap3A, %swap3A_29], %mul3A_28 {strides = array<i32>} : memref<10000x128xf32, #tpu.memory_space<vmem>>, vector<10000x128xf32>,
    return
  }
}

module attributes {stable_mosaic.version = 14 : i64} {
  func.func @_tc_pre_body(%arg0: memref<10000x128xf32, #tpu.memory_space<vmem>>, %arg1: memref<128x128xf32, #tpu.memory_space<vmem>>, %arg2: memref<10000x1xf32, #tpu.memory_space<vmem>>, %arg3: memref<10000x128xf32, #tpu.memory_space<vmem>>) attributes {dimension_semantics = [], scalar_prefetch = 0 : i64, scratch_operands = 0 : i64, tpu.core_type = #tpu.core_type<tc>} {
    %get3A = arith.constant 0 : index
    %get3A_0 = arith.constant 0 : index
    %get3A_1 = vector.load %arg0[%get3A, %get3A_0] : memref<10000x128xf32, #tpu.memory_space<vmem>>, vector<10000x128xf32>
    %get3A_2 = arith.constant 0 : index
    %get3A_3 = arith.constant 0 : index
    %get3A_4 = vector.load %arg1[%get3A_2, %get3A_3] : memref<128x128xf32, #tpu.memory_space<vmem>>, vector<128x128xf32>
    %dot_general3A = arith.constant dense<0.000000e+00> : vector<10000x128xf32>
    %dot_general3A_5 = tpu.matmul %get3A_1, %get3A_4, %dot_general3A {dimension_numbers = #tpu.dot_dimension_numbers<[1], [0], [0], [1], [0, 0, 1, 1], [], []>, transpose_lhs_hint = false} : vector<10000x128xf32>, vector<128x128xf32>, vector<10000x128xf32> -> vector<10000x128xf32>
    %get3A_6 = arith.constant 0 : index
    %get3A_7 = arith.constant 0 : index
    %get3A_8 = vector.load %arg2[%get3A_6, %get3A_7] : memref<10000x1xf32, #tpu.memory_space<vmem>>, vector<10000x1xf32>
    %mul3A = vector.broadcast %get3A_8 : vector<10000x1xf32> to vector<10000x128xf32>
    %mul3A_9 = arith.mulf %mul3A, %dot_general3A_5 : vector<10000x128xf32>
    %swap3A = arith.constant 0 : index
    %swap3A_10 = arith.constant 0 : index
    %swap3A_11 = vector.load %arg3[%swap3A, %swap3A_10] : memref<10000x128xf32, #tpu.memory_space<vmem>>, vector<10000x128xf32>
    tpu.vector_store %arg3[%swap3A, %swap3A_10], %mul3A_9 {strides = array<i32>} : memref<10000x128xf32, #tpu.memory_space<vmem>>, vector<10000x128xf32>,
    return
  }
}

module attributes {stable_mosaic.version = 14 : i64} {
  func.func @_tc_post_body(%arg0: memref<2x10112x128xf32, #tpu.memory_space<vmem>>, %arg1: memref<10000x1xf32, #tpu.memory_space<vmem>>, %arg2: memref<1x128xf32, #tpu.memory_space<vmem>>, %arg3: memref<10000x128xf32, #tpu.memory_space<vmem>>) attributes {dimension_semantics = [], scalar_prefetch = 0 : i64, scratch_operands = 0 : i64, tpu.core_type = #tpu.core_type<tc>} {
    %get3A = arith.constant 0 : index
    %get3A_0 = arith.constant 0 : index
    %get3A_1 = arith.constant 0 : index
    %get3A_2 = vector.load %arg0[%get3A, %get3A_0, %get3A_1] : memref<2x10112x128xf32, #tpu.memory_space<vmem>>, vector<1x10000x128xf32>
    %get3A_3 = vector.shape_cast %get3A_2 : vector<1x10000x128xf32> to vector<10000x128xf32>
    %get3A_4 = arith.constant 1 : index
    %get3A_5 = arith.constant 0 : index
    %get3A_6 = arith.constant 0 : index
    %get3A_7 = vector.load %arg0[%get3A_4, %get3A_5, %get3A_6] : memref<2x10112x128xf32, #tpu.memory_space<vmem>>, vector<1x10000x128xf32>
    %get3A_8 = vector.shape_cast %get3A_7 : vector<1x10000x128xf32> to vector<10000x128xf32>
    %add3A = arith.addf %get3A_3, %get3A_8 : vector<10000x128xf32>
    %get3A_9 = arith.constant 0 : index
    %get3A_10 = arith.constant 0 : index
    %get3A_11 = vector.load %arg1[%get3A_9, %get3A_10] : memref<10000x1xf32, #tpu.memory_space<vmem>>, vector<10000x1xf32>
    %mul3A = vector.broadcast %get3A_11 : vector<10000x1xf32> to vector<10000x128xf32>
    %mul3A_12 = arith.mulf %mul3A, %add3A : vector<10000x128xf32>
    %get3A_13 = arith.constant 0 : index
    %get3A_14 = arith.constant 0 : index
    %get3A_15 = vector.load %arg2[%get3A_13, %get3A_14] : memref<1x128xf32, #tpu.memory_space<vmem>>, vector<1x128xf32>
    %add3A_16 = vector.broadcast %get3A_15 : vector<1x128xf32> to vector<10000x128xf32>
    %add3A_17 = arith.addf %mul3A_12, %add3A_16 : vector<10000x128xf32>
    %swap3A = arith.constant 0 : index
    %swap3A_18 = arith.constant 0 : index
    %swap3A_19 = vector.load %arg3[%swap3A, %swap3A_18] : memref<10000x128xf32, #tpu.memory_space<vmem>>, vector<10000x128xf32>
    tpu.vector_store %arg3[%swap3A, %swap3A_18], %add3A_17 {strides = array<i32>} : memref<10000x128xf32, #tpu.memory_space<vmem>>, vector<10000x128xf32>,
    return
  }
}

</mosaic_0001>

<sc_bundles>
// kernel: kernel.10.cloned.1.call-start
scs
__scs_entry_jumppad:
0x0: {  	(pc) =	sbr.rel $0x88, $3  }
0x1: {  	(tag) =	ssettag $0x0;
	lr =	simm.s32 $0x1  }
0x2: {  	[smem:$0x3F9A] =	sst lr;
	_ =	strace $0xD0000000  }
0x3: {  	_ = 	snop  }
0x4: {  	_ = 	snop  }
0x5: {  	_ = 	snop  }
0x6: {  	_ = 	snop  }
0x7: {  	_ = 	snop  }
__scs_overlays_trampoline_lowered:
0x8: {  	[smem:$0x3FA9] =	sst s0  }
0x9: {  	[smem:$0x3FAA] =	sst s1  }
0xa: {  	[smem:$0x3FAB] =	sst s2  }
0xb: {  	[smem:$0x3FAC] =	sst s3  }
0xc: {  	[smem:$0x3FAD] =	sst s4  }
0xd: {  	[smem:$0x3FAE] =	sst s5  }
0xe: {  	[smem:$0x3FAF] =	sst s6  }
0xf: {  	[smem:$0x3FB0] =	sst s7  }
0x10: {  	[smem:$0x3FB1] =	sst s8  }
0x11: {  	[smem:$0x3FB2] =	sst s9;
	s0 =	simm.s32 @!p0 $0x0  }
0x12: {  	s1 =	sld [smem:$0x3F98];
	s0 =	simm.s32 @p0 $0x1  }
0x13: {  	[smem:$0x3FB3] =	sst s0;
	s0 =	simm.s32 @!p1 $0x0  }
0x14: {  	s2 =	sld [smem:$0x3F97];
	s0 =	simm.s32 @p1 $0x1  }
0x15: {  	[smem:$0x3FB4] =	sst s0;
	s0 =	simm.s32 @!p2 $0x0  }
0x16: {  	s3 =	sld [smem:$0x3FDB];
	s0 =	simm.s32 @p2 $0x1  }
0x17: {  	s4 =	simm.s32 $0x1BF5;
	[smem:$0x3FB6] =	sst s0  }
0x18: {  	s0 =	sld [smem:$0x3F99];
	_ =	swait.ge [sflag:s4], $0x0  }
0x19: {  	s7 =	sld [smem:$0x3F9A]  }
0x1a: {  	s8 =	sadd.s32 $0xFFFFE003, lr  }
0x1b: {  	s9 =	sadd.s32 $0xFFFFFEF7, lr;
	s5 =	simm.s32 $0xFFFFFFFF;
	p2 =	slt.u32 s8, $0xFFFFF086  }
0x1c: {  	p1 =	slt.u32 s9, $0xF7A;
	s5 =	simm.s32 @!p2 $0x0  }
0x1d: {  	s5 =	simm.s32 @p1 $0x1;
	p0 =	seq.s32 s7, s2  }
0x1e: {  	s7 =	smul.u32 @!p0 $0xF7A, s2;
	p2 =	seq.s32 @!p0 s5, $0x0  }
0x1f: {  	s9 =	smul.u32 $0xF7A, s1;
	s8 =	simm.s32 @!p0 $0x1BF5;
	p2 =	por !p2, p0  }
0x20: {  	[sflag:s8] =	ssyncset.s32 @!p0 $0xFFFFF086;
	s6 =	sadd.s32 @!p0 s3, s7;
	s7 =	simm.s32 @!p0 $0x108  }
0x21: {  	s3 =	sadd.s32 s3, s9;
	s6 =	sadd.s32 @!p0 $0x88, s6;
	s7 =	simm.s32 @p2 $0x1082  }
0x22: {  	[simem:s7], [sflag:s8] =	dma.local @!p0 [hbm:s6], $0xF7A  }
0x23: {  	s9 =	sor.u32 $0xD0000000, s2;
	s6 =	simm.s32 $0x108;
	_ =	swait.ge @!p0 [sflag:s8], $0x0  }
0x24: {  	s3 =	sadd.s32 $0x88, s3;
	s6 =	simm.s32 @!p1 $0x1082;
	[sflag:s4] =	ssyncset.s32 $0xFFFFF086  }
0x25: {  	[simem:s6], [sflag:s4] =	dma.local [hbm:s3], $0xF7A  }
0x26: {  	[smem:$0x3F9A] =	sst s1;
	(tag) =	ssettag s2;
	_ =	strace s9  }
0x27: {  	s1 =	sld [smem:$0x3FAA]  }
0x28: {  	s2 =	sld [smem:$0x3FAB]  }
0x29: {  	s4 =	sld [smem:$0x3FAD]  }
0x2a: {  	p0 =	seq.s32 s5, $0x0;
	s5 =	sld [smem:$0x3FAE]  }
0x2b: {  	s6 =	sld [smem:$0x3FAF]  }
0x2c: {  	s7 =	sld [smem:$0x3FB0]  }
0x2d: {  	s3 =	simm.s32 $0x108;
	s8 =	sld [smem:$0x3FB1]  }
0x2e: {  	s3 =	simm.s32 @!p0 $0x1082;
	s9 =	sld [smem:$0x3FB2]  }
0x2f: {  	lr =	sadd.s32 s0, s3;
	s0 =	sld [smem:$0x3FA9]  }
0x30: {  	s3 =	sld [smem:$0x3FAC]  }
0x31: {  	[smem:$0x3FB5] =	sst s10  }
0x32: {  	s10 =	sld [smem:$0x3FB3];
	_ =	sdelay $0x3  }
0x33: {  	p0 =	seq.s32 s10, $0x1;
	s10 =	sld [smem:$0x3FB5];
	_ =	sdelay $0x3  }
0x34: {  	[smem:$0x3FB5] =	sst s10  }
0x35: {  	s10 =	sld [smem:$0x3FB4];
	_ =	sdelay $0x3  }
0x36: {  	p1 =	seq.s32 s10, $0x1;
	s10 =	sld [smem:$0x3FB5];
	_ =	sdelay $0x3  }
0x37: {  	[smem:$0x3FB5] =	sst s10  }
0x38: {  	s10 =	sld [smem:$0x3FB6]  }
0x39: {  	_ = 	snop;
	(pc) =	sbr.ind lr, $3  }
0x3a: {  	_ = 	snop  }
0x3b: {  	_ = 	snop  }
0x3c: {  	p2 =	seq.s32 s10, $0x1;
	s10 =	sld [smem:$0x3FB5]  }
0x3d: {  	_ =	shalt  }
0x3e: {  	_ =	shalt  }
0x3f: {  	_ =	shalt  }
0x40: {  	_ =	shalt  }
0x41: {  	_ =	shalt  }
0x42: {  	_ =	shalt  }
0x43: {  	_ =	shalt  }
0x44: {  	_ =	shalt  }
0x45: {  	_ =	shalt  }
0x46: {  	_ =	shalt  }
0x47: {  	_ =	shalt  }
0x48: {  	_ =	shalt  }
0x49: {  	_ =	shalt  }
0x4a: {  	_ =	shalt  }
0x4b: {  	_ =	shalt  }
0x4c: {  	_ =	shalt  }
0x4d: {  	_ =	shalt  }
0x4e: {  	_ =	shalt  }
0x4f: {  	_ =	shalt  }
0x50: {  	_ =	shalt  }
0x51: {  	_ =	shalt  }
0x52: {  	_ =	shalt  }
0x53: {  	_ =	shalt  }
0x54: {  	_ =	shalt  }
0x55: {  	_ =	shalt  }
0x56: {  	_ =	shalt  }
0x57: {  	_ =	shalt  }
0x58: {  	_ =	shalt  }
0x59: {  	_ =	shalt  }
0x5a: {  	_ =	shalt  }
0x5b: {  	_ =	shalt  }
0x5c: {  	_ =	shalt  }
0x5d: {  	_ =	shalt  }
0x5e: {  	_ =	shalt  }
0x5f: {  	_ =	shalt  }
0x60: {  	_ =	shalt  }
0x61: {  	_ =	shalt  }
0x62: {  	_ =	shalt  }
0x63: {  	_ =	shalt  }
0x64: {  	_ =	shalt  }
0x65: {  	_ =	shalt  }
0x66: {  	_ =	shalt  }
0x67: {  	_ =	shalt  }
0x68: {  	_ =	shalt  }
0x69: {  	_ =	shalt  }
0x6a: {  	_ =	shalt  }
0x6b: {  	_ =	shalt  }
0x6c: {  	_ =	shalt  }
0x6d: {  	_ =	shalt  }
0x6e: {  	_ =	shalt  }
0x6f: {  	_ =	shalt  }
0x70: {  	_ =	shalt  }
0x71: {  	_ =	shalt  }
0x72: {  	_ =	shalt  }
0x73: {  	_ =	shalt  }
0x74: {  	_ =	shalt  }
0x75: {  	_ =	shalt  }
0x76: {  	_ =	shalt  }
0x77: {  	_ =	shalt  }
0x78: {  	_ =	shalt  }
0x79: {  	_ =	shalt  }
0x7a: {  	_ =	shalt  }
0x7b: {  	_ =	shalt  }
0x7c: {  	_ =	shalt  }
0x7d: {  	_ =	shalt  }
0x7e: {  	_ =	shalt  }
0x7f: {  	_ =	shalt  }
0x80: {  	_ =	shalt  }
0x81: {  	_ =	shalt  }
0x82: {  	_ =	shalt  }
0x83: {  	_ =	shalt  }
0x84: {  	_ =	shalt  }
0x85: {  	_ =	shalt  }
0x86: {  	_ =	shalt  }
0x87: {  	_ =	shalt  }
.Lfunc_end0:
.L_simem_size_0:
called_computation.1_lowered:
.L_overlay_start_0:
0x88: {  	s2 =	sld [smem:$0x3FD9]  }
0x89: {  	s3 =	sld [smem:$0x3FFE];
	_ =	sdelay $0x1  }
0x8a: {  	s1 =	srdreg.scid  }
0x8b: {  	s0 =	sand.u32 $0x1, s1  }
0x8c: {  	s17 =	sshll.u32 s0, $0xA;
	s2 =	sadd.s32 s3, s2  }
0x8d: {  	s2 =	sadd.s32 s2, s17  }
0x8e: {  	[smem:$0x3FC1] =	sst s2  }
0x8f: {  	_ = 	snop  }
0x90: {  	s2 =	sld [smem:$0x3FD0];
	(tm) =	ssettm $0x1  }
0x91: {  	s18 =	sld [smem:$0x3FFB];
	_ =	sdelay $0x3  }
0x92: {  	_ =	strace s18  }
0x93: {  	s3 =	sld [smem:$0x3FFC];
	_ =	sdelay $0x3  }
0x94: {  	_ =	strace s3  }
0x95: {  	s3 =	sld [smem:$0x3FFD];
	_ =	sdelay $0x3  }
0x96: {  	_ =	strace s3  }
0x97: {  	_ =	strace $0x8FFFFFFF  }
0x98: {  	s19 =	sld [smem:$0x3FDB];
	_ =	sdelay $0x1  }
0x99: {  	s4 =	simm.s32 $_scs_section_size  }
0x9a: {  	s5 =	simm.s32 $_size__tile_overlayer_lowered;
	s6 =	simm.s32 $_tile_overlayer_lowered  }
0x9b: {  	s22 =	simm.s32 $0x1BFF;
	s21 =	sshll.u32 s6, $0x1;
	s3 =	sadd.s32 s4, s19  }
0x9c: {  	s7 =	simm.s32 $0x0;
	s20 =	sshll.u32 s5, $0x1;
	s5 =	sadd.s32 s21, s3  }
0x9d: {  	[timem:s7], [sflag:s22] =	dma.local [hbm:s5], s20  }
0x9e: {  	_ =	swait.ge [sflag:s22], s20  }
0x9f: {  	s4 =	ssub.s32 $0x0, s20;
	[sflag:s22] =	ssyncset.done $0x0  }
0xa0: {  	[sflag:s22] =	ssyncadd.s32 s4;
	_ =	sdelay $0x1  }
0xa1: {  	s23 =	simm.s32 $0x1B8B  }
0xa2: {  	_ =	swait.ge [sflag:s23], $0x1  }
0xa3: {  	[sflag:s23] =	ssyncset.done $0x0  }
0xa4: {  	s25 =	simm.s32 $0x1B8E;
	s24 =	sld [smem:$0x3FFE];
	[sflag:s23] =	ssyncadd.s32 $0xFFFFFFFF  }
0xa5: {  	s26 =	simm.s32 $execute0_lowered;
	[smem:$0x3FD2] =	sst s25  }
0xa6: {  	s5 =	sshll.u32 s26, $0x1;
	_ =	strace $0x80000049;
	[dreg:$0x1] =	wrdreg $0xFFFFFFFF  }
0xa7: {  	s28 =	simm.s32 $_size_execute0_lowered;
	s3 =	sadd.s32 s3, s5;
	[dreg:$0x0] =	wrdreg $0x0  }
0xa8: {  	s5 =	sshll.u32 s28, $0x1;
	[dreg:$0x2] =	wrdreg s3  }
0xa9: {  	[dreg:$0x3] =	wrdreg s5  }
0xaa: {  	[dreg:$0x4] =	wrdreg $0xC0  }
0xab: {  	_ =	task [dreg:s7], $0x5FFFF  }
0xac: {  	[dreg:$0x1] =	wrdreg $0xFFFFFFFF  }
0xad: {  	[dreg:$0x0] =	wrdreg $0x60  }
0xae: {  	[dreg:$0x2] =	wrdreg s2  }
0xaf: {  	[dreg:$0x3] =	wrdreg s24  }
0xb0: {  	[dreg:$0x4] =	wrdreg $0xA4000  }
0xb1: {  	[dreg:$0x5] =	wrdreg $0x9  }
0xb2: {  	_ =	task.clear_ibuf [dreg:s7], $0x6FFFF;
	_ =	strace $0x90000049  }
0xb3: {  	s29 =	simm.s32 $0x9;
	_ =	strace $0x8000004B  }
0xb4: {  	_ =	swait.ge [sflag:s29], $0x1  }
0xb5: {  	[sflag:s29] =	ssyncadd.s32 $0xFFFFFFFF  }
0xb6: {  	_ =	strace $0x9000004B  }
0xb7: {  	_ =	sfence  }
0xb8: {  	s30 =	sld [smem:$0x0];
	_ =	sdelay $0x2  }
0xb9: {  	s31 =	sshll.u32 s1, $0xD;
	s1 =	sshrl.u32 s1, $0x2  }
0xba: {  	s3 =	sand.u32 $0x4000, s31;
	s1 =	sadd.s32 s1, s30  }
0xbb: {  	s0 =	sor.u32 s3, s0;
	s1 =	sshll.u32 s1, $0x11  }
0xbc: {  	s0 =	sor.u32 s1, s0  }
0xbd: {  	s0 =	sadd.s32 $0x8F2B, s0  }
0xbe: {  	[sflag:s0] =	ssyncadd.remote.s32 $0x1  }
0xbf: {  	_ =	sfence.sel $0xFFFF  }
0xc0: {  	[dreg:$0x0] =	wrdreg $0xFFFFFFFF;
	(pc) =	sbr.abs _section_cstart, $3  }
0xc1: {  	[dreg:$0x1] =	wrdreg $0xFFFFFFFF  }
0xc2: {  	_ =	task.clear_ibuf [dreg:s7], $0x2FFFF;
	_ =	strace $0x9FFFFFFF  }
0xc3: {  	(tm) =	ssettm $0x7FFFFFFF  }
tec
execute0_lowered:
.L_overlay_start_1:
0x0: {  	(tag) =	ssettag $0x1  }
0x1: {  	s1 =	rddreg [dreg:$0x0]  }
0x2: {  	s0 =	rddreg [dreg:$0x1]  }
0x3: {  	s2 =	rddreg [dreg:$0x2];
	s3 =	srdreg.scid  }
0x4: {  	s4 =	simm.s32 $0x0;
	s12 =	stileid.u32;
	s28 =	simm.s32 $0x5  }
0x5: {  	s29 =	simm.s32 $0x100;
	s31 =	simm.s32 $0x2C00;
	s30 =	simm.s32 $0x380  }
0x6: {  	s3 =	sand.u32 $0x1, s3;
	[smem:$0x7FF] =	sst s4;
	s6 =	smul.u32 $0x13C00, s12  }
0x7: {  	s7 =	sadd.s32 $0xB200, s0;
	s8 =	sadd.s32 $0x1400, s0;
	s10 =	smul.u32 $0x4F000, s12  }
0x8: {  	s9 =	sadd.s32 $0x15000, s0;
	s24 =	sshll.u32 s12, $0x1;
	s16 =	smul.u32 $0x4E20, s12  }
0x9: {  	s13 =	sshll.u32 s12, $0x6;
	s5 =	smul.u32 $0x13C000, s3;
	s25 =	ssub.s32 $0x2, s3  }
0xa: {  	_ =	strace $0x8000004A;
	[dreg:$0x4] =	wrdreg s9;
	s11 =	sshrl.u32 s25, $0x1  }
0xb: {  	s5 =	sadd.s32 s6, s5;
	s6 =	sor.u32 s3, s24;
	s26 =	ssub.s32 s25, s11  }
0xc: {  	s11 =	sshrl.u32 s10, $0x2;
	s3 =	smul.u32 $0x2710, s3;
	s10 =	simm.s32 $0x9  }
0xd: {  	s5 =	sshrl.u32 s5, $0x3;
	s6 =	smul.u32 $0x2710, s6;
	s9 =	sadd.s32 s11, s2  }
0xe: {  	s25 =	smax.u32 s26, $0x1;
	s0 =	sadd.s32 s5, s0;
	s3 =	sadd.s32 s3, s16  }
0xf: {  	[dreg:$0xe] =	wrdreg s25;
	s25 =	simm.s32 $0x50;
	s5 =	simm.s32 $0x8  }
0x10: {  	s14 =	sshrl.u32 s6, $0x3;
	s6 =	sor.u32 $0x1C0D, s13;
	s0 =	sadd.s32 $0x17800, s0  }
0x11: {  	s3 =	sadd.s32 $0x140, s3;
	s15 =	sadd.s32 s7, s14;
	[dreg:$0xd] =	wrdreg s0  }
0x12: {  	s17 =	sadd.s32 s8, s14;
	s18 =	sadd.s32 $0xA, s14;
	[dreg:$0x5] =	wrdreg s15  }
0x13: {  	s19 =	sadd.s32 $0x14, s14;
	[dreg:$0x6] =	wrdreg s17;
	s13 =	sadd.s32 s7, s18  }
0x14: {  	s11 =	sadd.s32 $0x1E, s14;
	s12 =	sadd.s32 s8, s18;
	[dreg:$0x7] =	wrdreg s13  }
0x15: {  	s24 =	sshrl.u32 s3, $0x3;
	s20 =	sadd.s32 s7, s19;
	[dreg:$0x8] =	wrdreg s12  }
0x16: {  	s0 =	simm.s32 $0x6;
	s21 =	sadd.s32 s8, s19;
	[dreg:$0x9] =	wrdreg s20  }
0x17: {  	s3 =	simm.s32 $0x3;
	s22 =	sadd.s32 s7, s11;
	[dreg:$0xa] =	wrdreg s21  }
0x18: {  	s23 =	sadd.s32 s8, s11;
	s26 =	sadd.s32 s24, s8;
	[dreg:$0xb] =	wrdreg s22  }
0x19: {  	s19 =	sshrl.u32 s9, $0x3;
	s8 =	simm.s32 $0xB;
	[dreg:$0xc] =	wrdreg s23  }
0x1a: {  	s9 =	simm.s32 $0xC;
	s11 =	simm.s32 $0x0;
	[dreg:$0xf] =	wrdreg s26  }
0x1b: {  	s13 =	sadd.s32 s24, s7;
	s20 =	simm.s32 $0xD;
	s21 =	simm.s32 $0x200  }
0x1c: {  	s24 =	simm.s32 $0x1;
	s26 =	simm.s32 $0x400;
	s7 =	simm.s32 $0xA  }
.LBB2_1:
0x1d: {  	s12 =	rddreg [dreg:$0x4]  }
0x1e: {  	[spmem:s19], [sflag:s6] =	dma.local [hbm:s12], $0x2780  }
0x1f: {  	_ =	swait.ge [sflag:s20], $0x2780  }
0x20: {  	[sflag:s20] =	ssyncset.done $0x0  }
0x21: {  	[sflag:s20] =	ssyncadd.s32 $0xFFFFD880  }
0x22: {  	[bflag:$0x0] =	sbarrier.arrive $0xFFFF  }
0x23: {  	s15 =	rddreg [dreg:$0x5]  }
0x24: {  	[tilespmem:s4], [sflag:$0x1] =	stream.linear.gather [hbm4b:s15+s4], $0x50, $0x38;
	[tilespmem:$0x1E000] =	vst v63  }
0x25: {  	s16 =	rddreg [dreg:$0x6]  }
0x26: {  	[tilespmem:s21], [sflag:$0x1] =	stream.linear.gather [hbm4b:s16+s4], $0x50, $0x38;
	[tilespmem:$0x1E000] =	vst v63  }
0x27: {  	s14 =	simm.s32 $0x80;
	s17 =	rddreg [dreg:$0x7]  }
0x28: {  	[tilespmem:s14], [sflag:$0x2] =	stream.linear.gather [hbm4b:s17+s4], $0x50, $0x38;
	[tilespmem:$0x1E000] =	vst v63  }
0x29: {  	s18 =	rddreg [dreg:$0x8];
	s15 =	simm.s32 $0x280  }
0x2a: {  	[tilespmem:s15], [sflag:$0x2] =	stream.linear.gather [hbm4b:s18+s4], $0x50, $0x38;
	[tilespmem:$0x1E000] =	vst v63  }
0x2b: {  	_ =	swait.ge [sflag:s24], $0x50  }
0x2c: {  	[sflag:s24] =	ssyncset.done $0x0  }
0x2d: {  	[sflag:s24] =	ssyncadd.s32 $0xFFFFFFB0  }
0x2e: {  	_ =	swait.ge [sflag:s24], $0x50  }
0x2f: {  	[sflag:s24] =	ssyncset.done $0x0  }
0x30: {  	[sflag:s24] =	ssyncadd.s32 $0xFFFFFFB0  }
0x31: {  	[tilespmem:s26], [sflag:$0x5] =	stream.indirect.gather [hbm4b:s1+s25], $0x80, s4, s25, $0xb8;
	[tilespmem:$0x1E000] =	vst v63  }
0x32: {  	_ =	swait.ge [sflag:s28], $0x2800  }
0x33: {  	[sflag:s28] =	ssyncset.done $0x0  }
0x34: {  	[sflag:s28] =	ssyncadd.s32 $0xFFFFD800  }
0x35: {  	[spmem:s2] =	stream.indirect.scatter.add.f32 [tilespmem:s26], [sflag:$0x9], $0x80, s21, s25, $0xb8;
	[tilespmem:$0x1E000] =	vst v63  }
0x36: {  	s22 =	rddreg [dreg:$0x9]  }
0x37: {  	[tilespmem:s29], [sflag:$0x3] =	stream.linear.gather [hbm4b:s22+s4], $0x50, $0x38;
	[tilespmem:$0x1E000] =	vst v63  }
0x38: {  	s12 =	simm.s32 $0x2;
	s16 =	simm.s32 $0x300;
	s23 =	rddreg [dreg:$0xa]  }
0x39: {  	[tilespmem:s16], [sflag:$0x3] =	stream.linear.gather [hbm4b:s23+s4], $0x50, $0x38;
	[tilespmem:$0x1E000] =	vst v63  }
0x3a: {  	_ =	swait.ge [sflag:s12], $0x50  }
0x3b: {  	[sflag:s12] =	ssyncset.done $0x0  }
0x3c: {  	[sflag:s12] =	ssyncadd.s32 $0xFFFFFFB0  }
0x3d: {  	_ =	swait.ge [sflag:s12], $0x50  }
0x3e: {  	[sflag:s12] =	ssyncset.done $0x0  }
0x3f: {  	[sflag:s12] =	ssyncadd.s32 $0xFFFFFFB0  }
0x40: {  	[tilespmem:s31], [sflag:$0x6] =	stream.indirect.gather [hbm4b:s1+s25], $0x80, s14, s25, $0xb8;
	[tilespmem:$0x1E000] =	vst v63  }
0x41: {  	_ =	swait.ge [sflag:s0], $0x2800  }
0x42: {  	[sflag:s0] =	ssyncset.done $0x0  }
0x43: {  	[sflag:s0] =	ssyncadd.s32 $0xFFFFD800  }
0x44: {  	[spmem:s2] =	stream.indirect.scatter.add.f32 [tilespmem:s31], [sflag:$0xA], $0x80, s15, s25, $0xb8;
	[tilespmem:$0x1E000] =	vst v63  }
0x45: {  	s18 =	simm.s32 $0x180;
	s17 =	rddreg [dreg:$0xb]  }
0x46: {  	[tilespmem:s18], [sflag:$0x4] =	stream.linear.gather [hbm4b:s17+s4], $0x50, $0x38;
	[tilespmem:$0x1E000] =	vst v63  }
0x47: {  	s22 =	rddreg [dreg:$0xc]  }
0x48: {  	[tilespmem:s30], [sflag:$0x4] =	stream.linear.gather [hbm4b:s22+s4], $0x50, $0x38;
	[tilespmem:$0x1E000] =	vst v63  }
0x49: {  	_ =	swait.ge [sflag:s3], $0x50  }
0x4a: {  	[sflag:s3] =	ssyncset.done $0x0  }
0x4b: {  	[sflag:s3] =	ssyncadd.s32 $0xFFFFFFB0  }
0x4c: {  	_ =	swait.ge [sflag:s3], $0x50  }
0x4d: {  	s23 =	simm.s32 $0x5400;
	[sflag:s3] =	ssyncset.done $0x0  }
0x4e: {  	s18 =	smov.u32 s13;
	s17 =	rddreg [dreg:$0xf];
	[sflag:s3] =	ssyncadd.s32 $0xFFFFFFB0  }
0x4f: {  	[tilespmem:s23], [sflag:$0x7] =	stream.indirect.gather [hbm4b:s1+s25], $0x80, s29, s25, $0xb8;
	[tilespmem:$0x1E000] =	vst v63  }
.LBB2_2:
0x50: {  	s15 =	sand.u32 $0x3, s12  }
0x51: {  	p0 =	sgt.s32 s15, $0x1  }
0x52: {  	p1 =	seq.s32 @p0 s15, $0x2  }
0x53: {  	p2 =	por !p1, !p0  }
0x54: {  	s16 =	simm.s32 @!p2 $0x4  }
0x55: {  	_ =	swait.ge @!p2 [sflag:s16], $0x50  }
0x56: {  	[sflag:s16] =	ssyncset.done @!p2 $0x0  }
0x57: {  	[sflag:s16] =	ssyncadd.s32 @!p2 $0xFFFFFFB0  }
0x58: {  	_ =	swait.ge @!p2 [sflag:s16], $0x50  }
0x59: {  	s22 =	simm.s32 @!p2 $0x180;
	[sflag:s16] =	ssyncset.done @!p2 $0x0  }
0x5a: {  	s23 =	simm.s32 @!p2 $0x7C00;
	[sflag:s16] =	ssyncadd.s32 @!p2 $0xFFFFFFB0;
	s16 =	simm.s32 @!p2 $0x50  }
0x5b: {  	[tilespmem:s23], [sflag:$0x8] =	stream.indirect.gather @!p2 [hbm4b:s1+s16], $0x80, s22, s16, $0xb8;
	[tilespmem:$0x1E000] =	vst v63  }
0x5c: {  	s22 =	simm.s32 @!p2 $0x7  }
0x5d: {  	_ =	swait.ge @!p2 [sflag:s22], $0x2800  }
0x5e: {  	[sflag:s22] =	ssyncset.done @!p2 $0x0  }
0x5f: {  	s23 =	simm.s32 @!p2 $0x5400;
	[sflag:s22] =	ssyncadd.s32 @!p2 $0xFFFFD800;
	s22 =	simm.s32 @!p2 $0x300  }
0x60: {  	[spmem:s2] =	stream.indirect.scatter.add.f32 @!p2 [tilespmem:s23], [sflag:$0xB], $0x80, s22, s16, $0xb8;
	[tilespmem:$0x1E000] =	vst v63  }
0x61: {  	s16 =	simm.s32 @!p2 $0x9  }
0x62: {  	_ =	swait.ge @!p2 [sflag:s16], $0x2800  }
0x63: {  	[sflag:s16] =	ssyncset.done @!p2 $0x0  }
0x64: {  	[sflag:s16] =	ssyncadd.s32 @!p2 $0xFFFFD800;
	s16 =	simm.s32 @!p2 $0x0  }
0x65: {  	[tilespmem:s16], [sflag:$0x1] =	stream.linear.gather @!p2 [hbm4b:s18+s16], $0x50, $0x38;
	[tilespmem:$0x1E000] =	vst v63  }
0x66: {  	p1 =	por p1, !p0;
	s22 =	simm.s32 @!p2 $0x200  }
0x67: {  	[tilespmem:s22], [sflag:$0x1] =	stream.linear.gather @!p2 [hbm4b:s17+s16], $0x50, $0x38;
	[tilespmem:$0x1E000] =	vst v63  }
0x68: {  	s16 =	simm.s32 @!p1 $0x1  }
0x69: {  	_ =	swait.ge @!p1 [sflag:s16], $0x50  }
0x6a: {  	[sflag:s16] =	ssyncset.done @!p1 $0x0  }
0x6b: {  	[sflag:s16] =	ssyncadd.s32 @!p1 $0xFFFFFFB0  }
0x6c: {  	_ =	swait.ge @!p1 [sflag:s16], $0x50  }
0x6d: {  	s23 =	simm.s32 @!p1 $0x400;
	[sflag:s16] =	ssyncset.done @!p1 $0x0  }
0x6e: {  	s22 =	simm.s32 @!p1 $0x0;
	[sflag:s16] =	ssyncadd.s32 @!p1 $0xFFFFFFB0;
	s16 =	simm.s32 @!p1 $0x50  }
0x6f: {  	[tilespmem:s23], [sflag:$0x5] =	stream.indirect.gather @!p1 [hbm4b:s1+s16], $0x80, s22, s16, $0xb8;
	[tilespmem:$0x1E000] =	vst v63  }
0x70: {  	s23 =	simm.s32 @!p1 $0x8  }
0x71: {  	_ =	swait.ge @!p1 [sflag:s23], $0x2800  }
0x72: {  	[sflag:s23] =	ssyncset.done @!p1 $0x0  }
0x73: {  	s14 =	simm.s32 @!p1 $0x7C00;
	[sflag:s23] =	ssyncadd.s32 @!p1 $0xFFFFD800;
	s23 =	simm.s32 @!p1 $0x380  }
0x74: {  	[spmem:s2] =	stream.indirect.scatter.add.f32 @!p1 [tilespmem:s14], [sflag:$0xC], $0x80, s23, s16, $0xb8;
	[tilespmem:$0x1E000] =	vst v63  }
0x75: {  	s14 =	simm.s32 @!p1 $0xA  }
0x76: {  	_ =	swait.ge @!p1 [sflag:s14], $0x2800  }
0x77: {  	[sflag:s14] =	ssyncset.done @!p1 $0x0  }
0x78: {  	[sflag:s14] =	ssyncadd.s32 @!p1 $0xFFFFD800;
	s14 =	simm.s32 @!p1 $0x80  }
0x79: {  	[tilespmem:s14], [sflag:$0x2] =	stream.linear.gather @!p1 [hbm4b:s18+s22], $0x50, $0x38;
	[tilespmem:$0x1E000] =	vst v63  }
0x7a: {  	s14 =	simm.s32 @!p1 $0x280  }
0x7b: {  	[tilespmem:s14], [sflag:$0x2] =	stream.linear.gather @!p1 [hbm4b:s17+s22], $0x50, $0x38;
	[tilespmem:$0x1E000] =	vst v63  }
0x7c: {  	p1 =	seq.s32 @!p0 s15, $0x0  }
0x7d: {  	p2 =	por !p1, p0  }
0x7e: {  	s14 =	simm.s32 @!p2 $0x2  }
0x7f: {  	_ =	swait.ge @!p2 [sflag:s14], $0x50  }
0x80: {  	[sflag:s14] =	ssyncset.done @!p2 $0x0  }
0x81: {  	[sflag:s14] =	ssyncadd.s32 @!p2 $0xFFFFFFB0  }
0x82: {  	_ =	swait.ge @!p2 [sflag:s14], $0x50  }
0x83: {  	s15 =	simm.s32 @!p2 $0x80;
	[sflag:s14] =	ssyncset.done @!p2 $0x0  }
0x84: {  	s16 =	simm.s32 @!p2 $0x2C00;
	[sflag:s14] =	ssyncadd.s32 @!p2 $0xFFFFFFB0;
	s14 =	simm.s32 @!p2 $0x50  }
0x85: {  	[tilespmem:s16], [sflag:$0x6] =	stream.indirect.gather @!p2 [hbm4b:s1+s14], $0x80, s15, s14, $0xb8;
	[tilespmem:$0x1E000] =	vst v63  }
0x86: {  	s15 =	simm.s32 @!p2 $0x5  }
0x87: {  	_ =	swait.ge @!p2 [sflag:s15], $0x2800  }
0x88: {  	[sflag:s15] =	ssyncset.done @!p2 $0x0  }
0x89: {  	s16 =	simm.s32 @!p2 $0x400;
	[sflag:s15] =	ssyncadd.s32 @!p2 $0xFFFFD800;
	s15 =	simm.s32 @!p2 $0x200  }
0x8a: {  	[spmem:s2] =	stream.indirect.scatter.add.f32 @!p2 [tilespmem:s16], [sflag:$0x9], $0x80, s15, s14, $0xb8;
	[tilespmem:$0x1E000] =	vst v63  }
0x8b: {  	s14 =	simm.s32 @!p2 $0xB  }
0x8c: {  	_ =	swait.ge @!p2 [sflag:s14], $0x2800  }
0x8d: {  	[sflag:s14] =	ssyncset.done @!p2 $0x0  }
0x8e: {  	s15 =	simm.s32 @!p2 $0x100;
	[sflag:s14] =	ssyncadd.s32 @!p2 $0xFFFFD800;
	s14 =	simm.s32 @!p2 $0x0  }
0x8f: {  	[tilespmem:s15], [sflag:$0x3] =	stream.linear.gather @!p2 [hbm4b:s18+s14], $0x50, $0x38;
	[tilespmem:$0x1E000] =	vst v63  }
0x90: {  	p0 =	por p1, p0;
	s15 =	simm.s32 @!p2 $0x300  }
0x91: {  	[tilespmem:s15], [sflag:$0x3] =	stream.linear.gather @!p2 [hbm4b:s17+s14], $0x50, $0x38;
	[tilespmem:$0x1E000] =	vst v63  }
0x92: {  	s14 =	simm.s32 @!p0 $0x3  }
0x93: {  	_ =	swait.ge @!p0 [sflag:s14], $0x50  }
0x94: {  	[sflag:s14] =	ssyncset.done @!p0 $0x0  }
0x95: {  	[sflag:s14] =	ssyncadd.s32 @!p0 $0xFFFFFFB0  }
0x96: {  	_ =	swait.ge @!p0 [sflag:s14], $0x50  }
0x97: {  	s16 =	simm.s32 @!p0 $0x5400;
	[sflag:s14] =	ssyncset.done @!p0 $0x0  }
0x98: {  	s15 =	simm.s32 @!p0 $0x100;
	[sflag:s14] =	ssyncadd.s32 @!p0 $0xFFFFFFB0;
	s14 =	simm.s32 @!p0 $0x50  }
0x99: {  	[tilespmem:s16], [sflag:$0x7] =	stream.indirect.gather @!p0 [hbm4b:s1+s14], $0x80, s15, s14, $0xb8;
	[tilespmem:$0x1E000] =	vst v63  }
0x9a: {  	s15 =	simm.s32 @!p0 $0x6  }
0x9b: {  	_ =	swait.ge @!p0 [sflag:s15], $0x2800  }
0x9c: {  	[sflag:s15] =	ssyncset.done @!p0 $0x0  }
0x9d: {  	s16 =	simm.s32 @!p0 $0x2C00;
	[sflag:s15] =	ssyncadd.s32 @!p0 $0xFFFFD800;
	s15 =	simm.s32 @!p0 $0x280  }
0x9e: {  	[spmem:s2] =	stream.indirect.scatter.add.f32 @!p0 [tilespmem:s16], [sflag:$0xA], $0x80, s15, s14, $0xb8;
	[tilespmem:$0x1E000] =	vst v63  }
0x9f: {  	s14 =	simm.s32 @!p0 $0xC  }
0xa0: {  	_ =	swait.ge @!p0 [sflag:s14], $0x2800  }
0xa1: {  	[sflag:s14] =	ssyncset.done @!p0 $0x0  }
0xa2: {  	s15 =	simm.s32 @!p0 $0x180;
	[sflag:s14] =	ssyncadd.s32 @!p0 $0xFFFFD800;
	s14 =	simm.s32 @!p0 $0x0  }
0xa3: {  	[tilespmem:s15], [sflag:$0x4] =	stream.linear.gather @!p0 [hbm4b:s18+s14], $0x50, $0x38;
	[tilespmem:$0x1E000] =	vst v63  }
0xa4: {  	s12 =	sadd.s32 $0x1, s12;
	s15 =	simm.s32 @!p0 $0x380  }
0xa5: {  	[tilespmem:s15], [sflag:$0x4] =	stream.linear.gather @!p0 [hbm4b:s17+s14], $0x50, $0x38;
	[tilespmem:$0x1E000] =	vst v63  }
0xa6: {  	p0 =	sne.s32 s12, $0x7B  }
.Ltmp0:
0xa7: {  	_ = 	snop;
	(pc) =	sbr.rel @p0 .LBB2_2-.Ltmp0, $2  }
0xa8: {  	_ =	sdelay $0x2  }
0xa9: {  	s18 =	sadd.s32 $0xA, s18;
	s17 =	sadd.s32 $0xA, s17  }
0xaa: {  	_ =	swait.ge [sflag:s5], $0x2800  }
0xab: {  	[sflag:s5] =	ssyncset.done $0x0  }
0xac: {  	s12 =	simm.s32 $0x7C00;
	[sflag:s5] =	ssyncadd.s32 $0xFFFFD800  }
0xad: {  	[spmem:s2] =	stream.indirect.scatter.add.f32 [tilespmem:s12], [sflag:$0xC], $0x80, s30, s25, $0xb8;
	[tilespmem:$0x1E000] =	vst v63  }
0xae: {  	_ =	swait.ge [sflag:s7], $0x2800  }
0xaf: {  	[sflag:s7] =	ssyncset.done $0x0  }
0xb0: {  	[sflag:s7] =	ssyncadd.s32 $0xFFFFD800  }
0xb1: {  	_ =	swait.ge [sflag:s24], $0x50  }
0xb2: {  	[sflag:s24] =	ssyncset.done $0x0  }
0xb3: {  	[sflag:s24] =	ssyncadd.s32 $0xFFFFFFB0  }
0xb4: {  	_ =	swait.ge [sflag:s24], $0x50  }
0xb5: {  	[sflag:s24] =	ssyncset.done $0x0  }
0xb6: {  	[sflag:s24] =	ssyncadd.s32 $0xFFFFFFB0  }
0xb7: {  	[tilespmem:s26], [sflag:$0x5] =	stream.indirect.gather [hbm4b:s1+s25], $0x80, s4, s25, $0xb8;
	[tilespmem:$0x1E000] =	vst v63  }
0xb8: {  	_ =	swait.ge [sflag:s28], $0x2800  }
0xb9: {  	[sflag:s28] =	ssyncset.done $0x0  }
0xba: {  	[sflag:s28] =	ssyncadd.s32 $0xFFFFD800  }
0xbb: {  	[spmem:s2] =	stream.indirect.scatter.add.f32 [tilespmem:s26], [sflag:$0x9], $0x80, s21, s25, $0xb8;
	[tilespmem:$0x1E000] =	vst v63  }
0xbc: {  	_ =	swait.ge [sflag:s8], $0x2800  }
0xbd: {  	[sflag:s8] =	ssyncset.done $0x0  }
0xbe: {  	[sflag:s8] =	ssyncadd.s32 $0xFFFFD800  }
0xbf: {  	_ =	swait.ge [sflag:s9], $0x2800  }
0xc0: {  	[sflag:s9] =	ssyncset.done $0x0  }
0xc1: {  	[sflag:s9] =	ssyncadd.s32 $0xFFFFD800  }
0xc2: {  	_ =	swait.ge [sflag:s10], $0x2800  }
0xc3: {  	[sflag:s10] =	ssyncset.done $0x0  }
0xc4: {  	[sflag:s10] =	ssyncadd.s32 $0xFFFFD800  }
0xc5: {  	[bflag:$0x0] =	sbarrier.arrive $0xFFFF  }
0xc6: {  	s22 =	rddreg [dreg:$0xd]  }
0xc7: {  	[hbm:s22], [sflag:s6] =	dma.local [spmem:s19], $0x2780  }
0xc8: {  	_ =	swait.ge [sflag:s20], $0x2780  }
0xc9: {  	s11 =	sadd.s32 $0x1, s11;
	s23 =	rddreg [dreg:$0xe]  }
0xca: {  	p0 =	sne.s32 s11, s23  }
.Ltmp1:
0xcb: {  	_ = 	snop;
	(pc) =	sbr.rel @p0 .LBB2_1-.Ltmp1, $3  }
0xcc: {  	_ =	sdelay $0x1  }
0xcd: {  	[sflag:s20] =	ssyncset.done $0x0  }
0xce: {  	[sflag:s20] =	ssyncadd.s32 $0xFFFFD880  }
0xcf: {  	_ =	sfence.sel $0x180000  }
0xd0: {  	[bflag:$0x0] =	sbarrier.arrive $0xFFFF  }
0xd1: {  	_ =	strace $0x9000004A  }
0xd2: {  	s0 =	stileid.u32;
	[bflag:$0x2] =	sbarrier.arrive $0xFFFF  }
0xd3: {  	p0 =	sne.s32 s0, $0x0;
	s0 =	rddreg [dreg:$0x3]  }
0xd4: {  	s0 =	sadd.s32 @!p0 $0x100000, s0  }
0xd5: {  	[sflag:s0] =	ssyncadd.tile.s32 @!p0 $0x1;
	_ =	shalt  }
.Lfunc_end2:
_tile_overlayer_lowered:
.L_overlay_start_2:
0xd6: {  	(tag) =	ssettag $0x2  }
0xd7: {  	s0 =	rddreg [dreg:$0x0];
	s2 =	stileid.u32  }
0xd8: {  	s1 =	rddreg [dreg:$0x1];
	p0 =	sne.s32 s2, $0x0  }
0xd9: {  	s3 =	rddreg [dreg:$0x2];
	[bflag:$0x3] =	sbarrier.arrive $0xFFFF;
	s2 =	simm.s32 @!p0 $0x1C0D  }
0xda: {  	[timem:s3], [sflag:s2] =	dma.local @!p0 [hbm:s0], s1  }
0xdb: {  	s0 =	simm.s32 @!p0 $0xD  }
0xdc: {  	_ =	swait.ge @!p0 [sflag:s0], s1  }
0xdd: {  	s1 =	ssub.s32 @!p0 $0x0, s1;
	[sflag:s0] =	ssyncset.done @!p0 $0x0  }
0xde: {  	[sflag:s0] =	ssyncadd.s32 @!p0 s1  }
0xdf: {  	[bflag:$0x3] =	sbarrier.arrive $0xFFFF  }
0xe0: {  	_ =	shalt  }

// kernel: kernel.7.cloned.1.call-start
scs
__scs_entry_jumppad:
0x0: {  	(pc) =	sbr.rel $0x88, $3  }
0x1: {  	(tag) =	ssettag $0x0;
	lr =	simm.s32 $0x1  }
0x2: {  	[smem:$0x3F9A] =	sst lr;
	_ =	strace $0xD0000000  }
0x3: {  	_ = 	snop  }
0x4: {  	_ = 	snop  }
0x5: {  	_ = 	snop  }
0x6: {  	_ = 	snop  }
0x7: {  	_ = 	snop  }
__scs_overlays_trampoline_lowered:
0x8: {  	[smem:$0x3FA9] =	sst s0  }
0x9: {  	[smem:$0x3FAA] =	sst s1  }
0xa: {  	[smem:$0x3FAB] =	sst s2  }
0xb: {  	[smem:$0x3FAC] =	sst s3  }
0xc: {  	[smem:$0x3FAD] =	sst s4  }
0xd: {  	[smem:$0x3FAE] =	sst s5  }
0xe: {  	[smem:$0x3FAF] =	sst s6  }
0xf: {  	[smem:$0x3FB0] =	sst s7  }
0x10: {  	[smem:$0x3FB1] =	sst s8  }
0x11: {  	[smem:$0x3FB2] =	sst s9;
	s0 =	simm.s32 @!p0 $0x0  }
0x12: {  	s1 =	sld [smem:$0x3F98];
	s0 =	simm.s32 @p0 $0x1  }
0x13: {  	[smem:$0x3FB3] =	sst s0;
	s0 =	simm.s32 @!p1 $0x0  }
0x14: {  	s2 =	sld [smem:$0x3F97];
	s0 =	simm.s32 @p1 $0x1  }
0x15: {  	[smem:$0x3FB4] =	sst s0;
	s0 =	simm.s32 @!p2 $0x0  }
0x16: {  	s3 =	sld [smem:$0x3FDB];
	s0 =	simm.s32 @p2 $0x1  }
0x17: {  	s4 =	simm.s32 $0x1BF5;
	[smem:$0x3FB6] =	sst s0  }
0x18: {  	s0 =	sld [smem:$0x3F99];
	_ =	swait.ge [sflag:s4], $0x0  }
0x19: {  	s7 =	sld [smem:$0x3F9A]  }
0x1a: {  	s8 =	sadd.s32 $0xFFFFE003, lr  }
0x1b: {  	s9 =	sadd.s32 $0xFFFFFEF7, lr;
	s5 =	simm.s32 $0xFFFFFFFF;
	p2 =	slt.u32 s8, $0xFFFFF086  }
0x1c: {  	p1 =	slt.u32 s9, $0xF7A;
	s5 =	simm.s32 @!p2 $0x0  }
0x1d: {  	s5 =	simm.s32 @p1 $0x1;
	p0 =	seq.s32 s7, s2  }
0x1e: {  	s7 =	smul.u32 @!p0 $0xF7A, s2;
	p2 =	seq.s32 @!p0 s5, $0x0  }
0x1f: {  	s9 =	smul.u32 $0xF7A, s1;
	s8 =	simm.s32 @!p0 $0x1BF5;
	p2 =	por !p2, p0  }
0x20: {  	[sflag:s8] =	ssyncset.s32 @!p0 $0xFFFFF086;
	s6 =	sadd.s32 @!p0 s3, s7;
	s7 =	simm.s32 @!p0 $0x108  }
0x21: {  	s3 =	sadd.s32 s3, s9;
	s6 =	sadd.s32 @!p0 $0x88, s6;
	s7 =	simm.s32 @p2 $0x1082  }
0x22: {  	[simem:s7], [sflag:s8] =	dma.local @!p0 [hbm:s6], $0xF7A  }
0x23: {  	s9 =	sor.u32 $0xD0000000, s2;
	s6 =	simm.s32 $0x108;
	_ =	swait.ge @!p0 [sflag:s8], $0x0  }
0x24: {  	s3 =	sadd.s32 $0x88, s3;
	s6 =	simm.s32 @!p1 $0x1082;
	[sflag:s4] =	ssyncset.s32 $0xFFFFF086  }
0x25: {  	[simem:s6], [sflag:s4] =	dma.local [hbm:s3], $0xF7A  }
0x26: {  	[smem:$0x3F9A] =	sst s1;
	(tag) =	ssettag s2;
	_ =	strace s9  }
0x27: {  	s1 =	sld [smem:$0x3FAA]  }
0x28: {  	s2 =	sld [smem:$0x3FAB]  }
0x29: {  	s4 =	sld [smem:$0x3FAD]  }
0x2a: {  	p0 =	seq.s32 s5, $0x0;
	s5 =	sld [smem:$0x3FAE]  }
0x2b: {  	s6 =	sld [smem:$0x3FAF]  }
0x2c: {  	s7 =	sld [smem:$0x3FB0]  }
0x2d: {  	s3 =	simm.s32 $0x108;
	s8 =	sld [smem:$0x3FB1]  }
0x2e: {  	s3 =	simm.s32 @!p0 $0x1082;
	s9 =	sld [smem:$0x3FB2]  }
0x2f: {  	lr =	sadd.s32 s0, s3;
	s0 =	sld [smem:$0x3FA9]  }
0x30: {  	s3 =	sld [smem:$0x3FAC]  }
0x31: {  	[smem:$0x3FB5] =	sst s10  }
0x32: {  	s10 =	sld [smem:$0x3FB3];
	_ =	sdelay $0x3  }
0x33: {  	p0 =	seq.s32 s10, $0x1;
	s10 =	sld [smem:$0x3FB5];
	_ =	sdelay $0x3  }
0x34: {  	[smem:$0x3FB5] =	sst s10  }
0x35: {  	s10 =	sld [smem:$0x3FB4];
	_ =	sdelay $0x3  }
0x36: {  	p1 =	seq.s32 s10, $0x1;
	s10 =	sld [smem:$0x3FB5];
	_ =	sdelay $0x3  }
0x37: {  	[smem:$0x3FB5] =	sst s10  }
0x38: {  	s10 =	sld [smem:$0x3FB6]  }
0x39: {  	_ = 	snop;
	(pc) =	sbr.ind lr, $3  }
0x3a: {  	_ = 	snop  }
0x3b: {  	_ = 	snop  }
0x3c: {  	p2 =	seq.s32 s10, $0x1;
	s10 =	sld [smem:$0x3FB5]  }
0x3d: {  	_ =	shalt  }
0x3e: {  	_ =	shalt  }
0x3f: {  	_ =	shalt  }
0x40: {  	_ =	shalt  }
0x41: {  	_ =	shalt  }
0x42: {  	_ =	shalt  }
0x43: {  	_ =	shalt  }
0x44: {  	_ =	shalt  }
0x45: {  	_ =	shalt  }
0x46: {  	_ =	shalt  }
0x47: {  	_ =	shalt  }
0x48: {  	_ =	shalt  }
0x49: {  	_ =	shalt  }
0x4a: {  	_ =	shalt  }
0x4b: {  	_ =	shalt  }
0x4c: {  	_ =	shalt  }
0x4d: {  	_ =	shalt  }
0x4e: {  	_ =	shalt  }
0x4f: {  	_ =	shalt  }
0x50: {  	_ =	shalt  }
0x51: {  	_ =	shalt  }
0x52: {  	_ =	shalt  }
0x53: {  	_ =	shalt  }
0x54: {  	_ =	shalt  }
0x55: {  	_ =	shalt  }
0x56: {  	_ =	shalt  }
0x57: {  	_ =	shalt  }
0x58: {  	_ =	shalt  }
0x59: {  	_ =	shalt  }
0x5a: {  	_ =	shalt  }
0x5b: {  	_ =	shalt  }
0x5c: {  	_ =	shalt  }
0x5d: {  	_ =	shalt  }
0x5e: {  	_ =	shalt  }
0x5f: {  	_ =	shalt  }
0x60: {  	_ =	shalt  }
0x61: {  	_ =	shalt  }
0x62: {  	_ =	shalt  }
0x63: {  	_ =	shalt  }
0x64: {  	_ =	shalt  }
0x65: {  	_ =	shalt  }
0x66: {  	_ =	shalt  }
0x67: {  	_ =	shalt  }
0x68: {  	_ =	shalt  }
0x69: {  	_ =	shalt  }
0x6a: {  	_ =	shalt  }
0x6b: {  	_ =	shalt  }
0x6c: {  	_ =	shalt  }
0x6d: {  	_ =	shalt  }
0x6e: {  	_ =	shalt  }
0x6f: {  	_ =	shalt  }
0x70: {  	_ =	shalt  }
0x71: {  	_ =	shalt  }
0x72: {  	_ =	shalt  }
0x73: {  	_ =	shalt  }
0x74: {  	_ =	shalt  }
0x75: {  	_ =	shalt  }
0x76: {  	_ =	shalt  }
0x77: {  	_ =	shalt  }
0x78: {  	_ =	shalt  }
0x79: {  	_ =	shalt  }
0x7a: {  	_ =	shalt  }
0x7b: {  	_ =	shalt  }
0x7c: {  	_ =	shalt  }
0x7d: {  	_ =	shalt  }
0x7e: {  	_ =	shalt  }
0x7f: {  	_ =	shalt  }
0x80: {  	_ =	shalt  }
0x81: {  	_ =	shalt  }
0x82: {  	_ =	shalt  }
0x83: {  	_ =	shalt  }
0x84: {  	_ =	shalt  }
0x85: {  	_ =	shalt  }
0x86: {  	_ =	shalt  }
0x87: {  	_ =	shalt  }
.Lfunc_end0:
.L_simem_size_0:
called_computation_lowered:
.L_overlay_start_0:
0x88: {  	s2 =	sld [smem:$0x3FD9]  }
0x89: {  	s3 =	sld [smem:$0x3FFE];
	_ =	sdelay $0x1  }
0x8a: {  	s1 =	srdreg.scid  }
0x8b: {  	s0 =	sand.u32 $0x1, s1  }
0x8c: {  	s17 =	sshll.u32 s0, $0xA;
	s2 =	sadd.s32 s3, s2  }
0x8d: {  	s2 =	sadd.s32 s2, s17  }
0x8e: {  	[smem:$0x3FC1] =	sst s2  }
0x8f: {  	_ = 	snop  }
0x90: {  	s2 =	sld [smem:$0x3FD0];
	(tm) =	ssettm $0x1  }
0x91: {  	s18 =	sld [smem:$0x3FFB];
	_ =	sdelay $0x3  }
0x92: {  	_ =	strace s18  }
0x93: {  	s3 =	sld [smem:$0x3FFC];
	_ =	sdelay $0x3  }
0x94: {  	_ =	strace s3  }
0x95: {  	s3 =	sld [smem:$0x3FFD];
	_ =	sdelay $0x3  }
0x96: {  	_ =	strace s3  }
0x97: {  	_ =	strace $0x8FFFFFFF  }
0x98: {  	s19 =	sld [smem:$0x3FDB];
	_ =	sdelay $0x1  }
0x99: {  	s4 =	simm.s32 $_scs_section_size  }
0x9a: {  	s5 =	simm.s32 $_size__tile_overlayer_lowered;
	s6 =	simm.s32 $_tile_overlayer_lowered  }
0x9b: {  	s22 =	simm.s32 $0x1BFF;
	s21 =	sshll.u32 s6, $0x1;
	s3 =	sadd.s32 s4, s19  }
0x9c: {  	s7 =	simm.s32 $0x0;
	s20 =	sshll.u32 s5, $0x1;
	s5 =	sadd.s32 s21, s3  }
0x9d: {  	[timem:s7], [sflag:s22] =	dma.local [hbm:s5], s20  }
0x9e: {  	_ =	swait.ge [sflag:s22], s20  }
0x9f: {  	s4 =	ssub.s32 $0x0, s20;
	[sflag:s22] =	ssyncset.done $0x0  }
0xa0: {  	[sflag:s22] =	ssyncadd.s32 s4;
	_ =	sdelay $0x1  }
0xa1: {  	s23 =	simm.s32 $0x1B8B  }
0xa2: {  	_ =	swait.ge [sflag:s23], $0x1  }
0xa3: {  	[sflag:s23] =	ssyncset.done $0x0  }
0xa4: {  	s25 =	simm.s32 $0x1B8E;
	s24 =	sld [smem:$0x3FFE];
	[sflag:s23] =	ssyncadd.s32 $0xFFFFFFFF  }
0xa5: {  	s26 =	simm.s32 $execute0_lowered;
	[smem:$0x3FD2] =	sst s25  }
0xa6: {  	s5 =	sshll.u32 s26, $0x1;
	_ =	strace $0x80000046;
	[dreg:$0x1] =	wrdreg $0xFFFFFFFF  }
0xa7: {  	s28 =	simm.s32 $_size_execute0_lowered;
	s3 =	sadd.s32 s3, s5;
	[dreg:$0x0] =	wrdreg $0x0  }
0xa8: {  	s5 =	sshll.u32 s28, $0x1;
	[dreg:$0x2] =	wrdreg s3  }
0xa9: {  	[dreg:$0x3] =	wrdreg s5  }
0xaa: {  	[dreg:$0x4] =	wrdreg $0xC0  }
0xab: {  	_ =	task [dreg:s7], $0x5FFFF  }
0xac: {  	[dreg:$0x1] =	wrdreg $0xFFFFFFFF  }
0xad: {  	[dreg:$0x0] =	wrdreg $0x60  }
0xae: {  	[dreg:$0x2] =	wrdreg s2  }
0xaf: {  	[dreg:$0x3] =	wrdreg s24  }
0xb0: {  	[dreg:$0x4] =	wrdreg $0xA4000  }
0xb1: {  	[dreg:$0x5] =	wrdreg $0x9  }
0xb2: {  	_ =	task.clear_ibuf [dreg:s7], $0x6FFFF;
	_ =	strace $0x90000046  }
0xb3: {  	s29 =	simm.s32 $0x9;
	_ =	strace $0x80000048  }
0xb4: {  	_ =	swait.ge [sflag:s29], $0x1  }
0xb5: {  	[sflag:s29] =	ssyncadd.s32 $0xFFFFFFFF  }
0xb6: {  	_ =	strace $0x90000048  }
0xb7: {  	_ =	sfence  }
0xb8: {  	s30 =	sld [smem:$0x0];
	_ =	sdelay $0x2  }
0xb9: {  	s31 =	sshll.u32 s1, $0xD;
	s1 =	sshrl.u32 s1, $0x2  }
0xba: {  	s3 =	sand.u32 $0x4000, s31;
	s1 =	sadd.s32 s1, s30  }
0xbb: {  	s0 =	sor.u32 s3, s0;
	s1 =	sshll.u32 s1, $0x11  }
0xbc: {  	s0 =	sor.u32 s1, s0  }
0xbd: {  	s0 =	sadd.s32 $0x8F2B, s0  }
0xbe: {  	[sflag:s0] =	ssyncadd.remote.s32 $0x1  }
0xbf: {  	_ =	sfence.sel $0xFFFF  }
0xc0: {  	[dreg:$0x0] =	wrdreg $0xFFFFFFFF;
	(pc) =	sbr.abs _section_cstart, $3  }
0xc1: {  	[dreg:$0x1] =	wrdreg $0xFFFFFFFF  }
0xc2: {  	_ =	task.clear_ibuf [dreg:s7], $0x2FFFF;
	_ =	strace $0x9FFFFFFF  }
0xc3: {  	(tm) =	ssettm $0x7FFFFFFF  }
tec
execute0_lowered:
.L_overlay_start_1:
0x0: {  	(tag) =	ssettag $0x1  }
0x1: {  	s1 =	rddreg [dreg:$0x0]  }
0x2: {  	s0 =	rddreg [dreg:$0x1]  }
0x3: {  	s2 =	rddreg [dreg:$0x2];
	s3 =	srdreg.scid  }
0x4: {  	s4 =	simm.s32 $0x0;
	s12 =	stileid.u32;
	s28 =	simm.s32 $0x5  }
0x5: {  	s29 =	simm.s32 $0x100;
	s31 =	simm.s32 $0x2C00;
	s30 =	simm.s32 $0x380  }
0x6: {  	s3 =	sand.u32 $0x1, s3;
	[smem:$0x7FF] =	sst s4;
	s6 =	smul.u32 $0x13C00, s12  }
0x7: {  	s7 =	sadd.s32 $0xB200, s0;
	s8 =	sadd.s32 $0x1400, s0;
	s10 =	smul.u32 $0x4F000, s12  }
0x8: {  	s9 =	sadd.s32 $0x15000, s0;
	s24 =	sshll.u32 s12, $0x1;
	s16 =	smul.u32 $0x4E20, s12  }
0x9: {  	s13 =	sshll.u32 s12, $0x6;
	s5 =	smul.u32 $0x13C000, s3;
	s25 =	ssub.s32 $0x2, s3  }
0xa: {  	_ =	strace $0x80000047;
	[dreg:$0x4] =	wrdreg s9;
	s11 =	sshrl.u32 s25, $0x1  }
0xb: {  	s5 =	sadd.s32 s6, s5;
	s6 =	sor.u32 s3, s24;
	s26 =	ssub.s32 s25, s11  }
0xc: {  	s11 =	sshrl.u32 s10, $0x2;
	s3 =	smul.u32 $0x2710, s3;
	s10 =	simm.s32 $0x9  }
0xd: {  	s5 =	sshrl.u32 s5, $0x3;
	s6 =	smul.u32 $0x2710, s6;
	s9 =	sadd.s32 s11, s2  }
0xe: {  	s25 =	smax.u32 s26, $0x1;
	s0 =	sadd.s32 s5, s0;
	s3 =	sadd.s32 s3, s16  }
0xf: {  	[dreg:$0xe] =	wrdreg s25;
	s25 =	simm.s32 $0x50;
	s5 =	simm.s32 $0x8  }
0x10: {  	s14 =	sshrl.u32 s6, $0x3;
	s6 =	sor.u32 $0x1C0D, s13;
	s0 =	sadd.s32 $0x17800, s0  }
0x11: {  	s3 =	sadd.s32 $0x140, s3;
	s15 =	sadd.s32 s7, s14;
	[dreg:$0xd] =	wrdreg s0  }
0x12: {  	s17 =	sadd.s32 s8, s14;
	s18 =	sadd.s32 $0xA, s14;
	[dreg:$0x5] =	wrdreg s15  }
0x13: {  	s19 =	sadd.s32 $0x14, s14;
	[dreg:$0x6] =	wrdreg s17;
	s13 =	sadd.s32 s7, s18  }
0x14: {  	s11 =	sadd.s32 $0x1E, s14;
	s12 =	sadd.s32 s8, s18;
	[dreg:$0x7] =	wrdreg s13  }
0x15: {  	s24 =	sshrl.u32 s3, $0x3;
	s20 =	sadd.s32 s7, s19;
	[dreg:$0x8] =	wrdreg s12  }
0x16: {  	s0 =	simm.s32 $0x6;
	s21 =	sadd.s32 s8, s19;
	[dreg:$0x9] =	wrdreg s20  }
0x17: {  	s3 =	simm.s32 $0x3;
	s22 =	sadd.s32 s7, s11;
	[dreg:$0xa] =	wrdreg s21  }
0x18: {  	s23 =	sadd.s32 s8, s11;
	s26 =	sadd.s32 s24, s8;
	[dreg:$0xb] =	wrdreg s22  }
0x19: {  	s19 =	sshrl.u32 s9, $0x3;
	s8 =	simm.s32 $0xB;
	[dreg:$0xc] =	wrdreg s23  }
0x1a: {  	s9 =	simm.s32 $0xC;
	s11 =	simm.s32 $0x0;
	[dreg:$0xf] =	wrdreg s26  }
0x1b: {  	s13 =	sadd.s32 s24, s7;
	s20 =	simm.s32 $0xD;
	s21 =	simm.s32 $0x200  }
0x1c: {  	s24 =	simm.s32 $0x1;
	s26 =	simm.s32 $0x400;
	s7 =	simm.s32 $0xA  }
.LBB2_1:
0x1d: {  	s12 =	rddreg [dreg:$0x4]  }
0x1e: {  	[spmem:s19], [sflag:s6] =	dma.local [hbm:s12], $0x2780  }
0x1f: {  	_ =	swait.ge [sflag:s20], $0x2780  }
0x20: {  	[sflag:s20] =	ssyncset.done $0x0  }
0x21: {  	[sflag:s20] =	ssyncadd.s32 $0xFFFFD880  }
0x22: {  	[bflag:$0x0] =	sbarrier.arrive $0xFFFF  }
0x23: {  	s15 =	rddreg [dreg:$0x5]  }
0x24: {  	[tilespmem:s4], [sflag:$0x1] =	stream.linear.gather [hbm4b:s15+s4], $0x50, $0x38;
	[tilespmem:$0x1E000] =	vst v63  }
0x25: {  	s16 =	rddreg [dreg:$0x6]  }
0x26: {  	[tilespmem:s21], [sflag:$0x1] =	stream.linear.gather [hbm4b:s16+s4], $0x50, $0x38;
	[tilespmem:$0x1E000] =	vst v63  }
0x27: {  	s14 =	simm.s32 $0x80;
	s17 =	rddreg [dreg:$0x7]  }
0x28: {  	[tilespmem:s14], [sflag:$0x2] =	stream.linear.gather [hbm4b:s17+s4], $0x50, $0x38;
	[tilespmem:$0x1E000] =	vst v63  }
0x29: {  	s18 =	rddreg [dreg:$0x8];
	s15 =	simm.s32 $0x280  }
0x2a: {  	[tilespmem:s15], [sflag:$0x2] =	stream.linear.gather [hbm4b:s18+s4], $0x50, $0x38;
	[tilespmem:$0x1E000] =	vst v63  }
0x2b: {  	_ =	swait.ge [sflag:s24], $0x50  }
0x2c: {  	[sflag:s24] =	ssyncset.done $0x0  }
0x2d: {  	[sflag:s24] =	ssyncadd.s32 $0xFFFFFFB0  }
0x2e: {  	_ =	swait.ge [sflag:s24], $0x50  }
0x2f: {  	[sflag:s24] =	ssyncset.done $0x0  }
0x30: {  	[sflag:s24] =	ssyncadd.s32 $0xFFFFFFB0  }
0x31: {  	[tilespmem:s26], [sflag:$0x5] =	stream.indirect.gather [hbm4b:s1+s25], $0x80, s4, s25, $0xb8;
	[tilespmem:$0x1E000] =	vst v63  }
0x32: {  	_ =	swait.ge [sflag:s28], $0x2800  }
0x33: {  	[sflag:s28] =	ssyncset.done $0x0  }
0x34: {  	[sflag:s28] =	ssyncadd.s32 $0xFFFFD800  }
0x35: {  	[spmem:s2] =	stream.indirect.scatter.add.f32 [tilespmem:s26], [sflag:$0x9], $0x80, s21, s25, $0xb8;
	[tilespmem:$0x1E000] =	vst v63  }
0x36: {  	s22 =	rddreg [dreg:$0x9]  }
0x37: {  	[tilespmem:s29], [sflag:$0x3] =	stream.linear.gather [hbm4b:s22+s4], $0x50, $0x38;
	[tilespmem:$0x1E000] =	vst v63  }
0x38: {  	s12 =	simm.s32 $0x2;
	s16 =	simm.s32 $0x300;
	s23 =	rddreg [dreg:$0xa]  }
0x39: {  	[tilespmem:s16], [sflag:$0x3] =	stream.linear.gather [hbm4b:s23+s4], $0x50, $0x38;
	[tilespmem:$0x1E000] =	vst v63  }
0x3a: {  	_ =	swait.ge [sflag:s12], $0x50  }
0x3b: {  	[sflag:s12] =	ssyncset.done $0x0  }
0x3c: {  	[sflag:s12] =	ssyncadd.s32 $0xFFFFFFB0  }
0x3d: {  	_ =	swait.ge [sflag:s12], $0x50  }
0x3e: {  	[sflag:s12] =	ssyncset.done $0x0  }
0x3f: {  	[sflag:s12] =	ssyncadd.s32 $0xFFFFFFB0  }
0x40: {  	[tilespmem:s31], [sflag:$0x6] =	stream.indirect.gather [hbm4b:s1+s25], $0x80, s14, s25, $0xb8;
	[tilespmem:$0x1E000] =	vst v63  }
0x41: {  	_ =	swait.ge [sflag:s0], $0x2800  }
0x42: {  	[sflag:s0] =	ssyncset.done $0x0  }
0x43: {  	[sflag:s0] =	ssyncadd.s32 $0xFFFFD800  }
0x44: {  	[spmem:s2] =	stream.indirect.scatter.add.f32 [tilespmem:s31], [sflag:$0xA], $0x80, s15, s25, $0xb8;
	[tilespmem:$0x1E000] =	vst v63  }
0x45: {  	s18 =	simm.s32 $0x180;
	s17 =	rddreg [dreg:$0xb]  }
0x46: {  	[tilespmem:s18], [sflag:$0x4] =	stream.linear.gather [hbm4b:s17+s4], $0x50, $0x38;
	[tilespmem:$0x1E000] =	vst v63  }
0x47: {  	s22 =	rddreg [dreg:$0xc]  }
0x48: {  	[tilespmem:s30], [sflag:$0x4] =	stream.linear.gather [hbm4b:s22+s4], $0x50, $0x38;
	[tilespmem:$0x1E000] =	vst v63  }
0x49: {  	_ =	swait.ge [sflag:s3], $0x50  }
0x4a: {  	[sflag:s3] =	ssyncset.done $0x0  }
0x4b: {  	[sflag:s3] =	ssyncadd.s32 $0xFFFFFFB0  }
0x4c: {  	_ =	swait.ge [sflag:s3], $0x50  }
0x4d: {  	s23 =	simm.s32 $0x5400;
	[sflag:s3] =	ssyncset.done $0x0  }
0x4e: {  	s18 =	smov.u32 s13;
	s17 =	rddreg [dreg:$0xf];
	[sflag:s3] =	ssyncadd.s32 $0xFFFFFFB0  }
0x4f: {  	[tilespmem:s23], [sflag:$0x7] =	stream.indirect.gather [hbm4b:s1+s25], $0x80, s29, s25, $0xb8;
	[tilespmem:$0x1E000] =	vst v63  }
.LBB2_2:
0x50: {  	s15 =	sand.u32 $0x3, s12  }
0x51: {  	p0 =	sgt.s32 s15, $0x1  }
0x52: {  	p1 =	seq.s32 @p0 s15, $0x2  }
0x53: {  	p2 =	por !p1, !p0  }
0x54: {  	s16 =	simm.s32 @!p2 $0x4  }
0x55: {  	_ =	swait.ge @!p2 [sflag:s16], $0x50  }
0x56: {  	[sflag:s16] =	ssyncset.done @!p2 $0x0  }
0x57: {  	[sflag:s16] =	ssyncadd.s32 @!p2 $0xFFFFFFB0  }
0x58: {  	_ =	swait.ge @!p2 [sflag:s16], $0x50  }
0x59: {  	s22 =	simm.s32 @!p2 $0x180;
	[sflag:s16] =	ssyncset.done @!p2 $0x0  }
0x5a: {  	s23 =	simm.s32 @!p2 $0x7C00;
	[sflag:s16] =	ssyncadd.s32 @!p2 $0xFFFFFFB0;
	s16 =	simm.s32 @!p2 $0x50  }
0x5b: {  	[tilespmem:s23], [sflag:$0x8] =	stream.indirect.gather @!p2 [hbm4b:s1+s16], $0x80, s22, s16, $0xb8;
	[tilespmem:$0x1E000] =	vst v63  }
0x5c: {  	s22 =	simm.s32 @!p2 $0x7  }
0x5d: {  	_ =	swait.ge @!p2 [sflag:s22], $0x2800  }
0x5e: {  	[sflag:s22] =	ssyncset.done @!p2 $0x0  }
0x5f: {  	s23 =	simm.s32 @!p2 $0x5400;
	[sflag:s22] =	ssyncadd.s32 @!p2 $0xFFFFD800;
	s22 =	simm.s32 @!p2 $0x300  }
0x60: {  	[spmem:s2] =	stream.indirect.scatter.add.f32 @!p2 [tilespmem:s23], [sflag:$0xB], $0x80, s22, s16, $0xb8;
	[tilespmem:$0x1E000] =	vst v63  }
0x61: {  	s16 =	simm.s32 @!p2 $0x9  }
0x62: {  	_ =	swait.ge @!p2 [sflag:s16], $0x2800  }
0x63: {  	[sflag:s16] =	ssyncset.done @!p2 $0x0  }
0x64: {  	[sflag:s16] =	ssyncadd.s32 @!p2 $0xFFFFD800;
	s16 =	simm.s32 @!p2 $0x0  }
0x65: {  	[tilespmem:s16], [sflag:$0x1] =	stream.linear.gather @!p2 [hbm4b:s18+s16], $0x50, $0x38;
	[tilespmem:$0x1E000] =	vst v63  }
0x66: {  	p1 =	por p1, !p0;
	s22 =	simm.s32 @!p2 $0x200  }
0x67: {  	[tilespmem:s22], [sflag:$0x1] =	stream.linear.gather @!p2 [hbm4b:s17+s16], $0x50, $0x38;
	[tilespmem:$0x1E000] =	vst v63  }
0x68: {  	s16 =	simm.s32 @!p1 $0x1  }
0x69: {  	_ =	swait.ge @!p1 [sflag:s16], $0x50  }
0x6a: {  	[sflag:s16] =	ssyncset.done @!p1 $0x0  }
0x6b: {  	[sflag:s16] =	ssyncadd.s32 @!p1 $0xFFFFFFB0  }
0x6c: {  	_ =	swait.ge @!p1 [sflag:s16], $0x50  }
0x6d: {  	s23 =	simm.s32 @!p1 $0x400;
	[sflag:s16] =	ssyncset.done @!p1 $0x0  }
0x6e: {  	s22 =	simm.s32 @!p1 $0x0;
	[sflag:s16] =	ssyncadd.s32 @!p1 $0xFFFFFFB0;
	s16 =	simm.s32 @!p1 $0x50  }
0x6f: {  	[tilespmem:s23], [sflag:$0x5] =	stream.indirect.gather @!p1 [hbm4b:s1+s16], $0x80, s22, s16, $0xb8;
	[tilespmem:$0x1E000] =	vst v63  }
0x70: {  	s23 =	simm.s32 @!p1 $0x8  }
0x71: {  	_ =	swait.ge @!p1 [sflag:s23], $0x2800  }
0x72: {  	[sflag:s23] =	ssyncset.done @!p1 $0x0  }
0x73: {  	s14 =	simm.s32 @!p1 $0x7C00;
	[sflag:s23] =	ssyncadd.s32 @!p1 $0xFFFFD800;
	s23 =	simm.s32 @!p1 $0x380  }
0x74: {  	[spmem:s2] =	stream.indirect.scatter.add.f32 @!p1 [tilespmem:s14], [sflag:$0xC], $0x80, s23, s16, $0xb8;
	[tilespmem:$0x1E000] =	vst v63  }
0x75: {  	s14 =	simm.s32 @!p1 $0xA  }
0x76: {  	_ =	swait.ge @!p1 [sflag:s14], $0x2800  }
0x77: {  	[sflag:s14] =	ssyncset.done @!p1 $0x0  }
0x78: {  	[sflag:s14] =	ssyncadd.s32 @!p1 $0xFFFFD800;
	s14 =	simm.s32 @!p1 $0x80  }
0x79: {  	[tilespmem:s14], [sflag:$0x2] =	stream.linear.gather @!p1 [hbm4b:s18+s22], $0x50, $0x38;
	[tilespmem:$0x1E000] =	vst v63  }
0x7a: {  	s14 =	simm.s32 @!p1 $0x280  }
0x7b: {  	[tilespmem:s14], [sflag:$0x2] =	stream.linear.gather @!p1 [hbm4b:s17+s22], $0x50, $0x38;
	[tilespmem:$0x1E000] =	vst v63  }
0x7c: {  	p1 =	seq.s32 @!p0 s15, $0x0  }
0x7d: {  	p2 =	por !p1, p0  }
0x7e: {  	s14 =	simm.s32 @!p2 $0x2  }
0x7f: {  	_ =	swait.ge @!p2 [sflag:s14], $0x50  }
0x80: {  	[sflag:s14] =	ssyncset.done @!p2 $0x0  }
0x81: {  	[sflag:s14] =	ssyncadd.s32 @!p2 $0xFFFFFFB0  }
0x82: {  	_ =	swait.ge @!p2 [sflag:s14], $0x50  }
0x83: {  	s15 =	simm.s32 @!p2 $0x80;
	[sflag:s14] =	ssyncset.done @!p2 $0x0  }
0x84: {  	s16 =	simm.s32 @!p2 $0x2C00;
	[sflag:s14] =	ssyncadd.s32 @!p2 $0xFFFFFFB0;
	s14 =	simm.s32 @!p2 $0x50  }
0x85: {  	[tilespmem:s16], [sflag:$0x6] =	stream.indirect.gather @!p2 [hbm4b:s1+s14], $0x80, s15, s14, $0xb8;
	[tilespmem:$0x1E000] =	vst v63  }
0x86: {  	s15 =	simm.s32 @!p2 $0x5  }
0x87: {  	_ =	swait.ge @!p2 [sflag:s15], $0x2800  }
0x88: {  	[sflag:s15] =	ssyncset.done @!p2 $0x0  }
0x89: {  	s16 =	simm.s32 @!p2 $0x400;
	[sflag:s15] =	ssyncadd.s32 @!p2 $0xFFFFD800;
	s15 =	simm.s32 @!p2 $0x200  }
0x8a: {  	[spmem:s2] =	stream.indirect.scatter.add.f32 @!p2 [tilespmem:s16], [sflag:$0x9], $0x80, s15, s14, $0xb8;
	[tilespmem:$0x1E000] =	vst v63  }
0x8b: {  	s14 =	simm.s32 @!p2 $0xB  }
0x8c: {  	_ =	swait.ge @!p2 [sflag:s14], $0x2800  }
0x8d: {  	[sflag:s14] =	ssyncset.done @!p2 $0x0  }
0x8e: {  	s15 =	simm.s32 @!p2 $0x100;
	[sflag:s14] =	ssyncadd.s32 @!p2 $0xFFFFD800;
	s14 =	simm.s32 @!p2 $0x0  }
0x8f: {  	[tilespmem:s15], [sflag:$0x3] =	stream.linear.gather @!p2 [hbm4b:s18+s14], $0x50, $0x38;
	[tilespmem:$0x1E000] =	vst v63  }
0x90: {  	p0 =	por p1, p0;
	s15 =	simm.s32 @!p2 $0x300  }
0x91: {  	[tilespmem:s15], [sflag:$0x3] =	stream.linear.gather @!p2 [hbm4b:s17+s14], $0x50, $0x38;
	[tilespmem:$0x1E000] =	vst v63  }
0x92: {  	s14 =	simm.s32 @!p0 $0x3  }
0x93: {  	_ =	swait.ge @!p0 [sflag:s14], $0x50  }
0x94: {  	[sflag:s14] =	ssyncset.done @!p0 $0x0  }
0x95: {  	[sflag:s14] =	ssyncadd.s32 @!p0 $0xFFFFFFB0  }
0x96: {  	_ =	swait.ge @!p0 [sflag:s14], $0x50  }
0x97: {  	s16 =	simm.s32 @!p0 $0x5400;
	[sflag:s14] =	ssyncset.done @!p0 $0x0  }
0x98: {  	s15 =	simm.s32 @!p0 $0x100;
	[sflag:s14] =	ssyncadd.s32 @!p0 $0xFFFFFFB0;
	s14 =	simm.s32 @!p0 $0x50  }
0x99: {  	[tilespmem:s16], [sflag:$0x7] =	stream.indirect.gather @!p0 [hbm4b:s1+s14], $0x80, s15, s14, $0xb8;
	[tilespmem:$0x1E000] =	vst v63  }
0x9a: {  	s15 =	simm.s32 @!p0 $0x6  }
0x9b: {  	_ =	swait.ge @!p0 [sflag:s15], $0x2800  }
0x9c: {  	[sflag:s15] =	ssyncset.done @!p0 $0x0  }
0x9d: {  	s16 =	simm.s32 @!p0 $0x2C00;
	[sflag:s15] =	ssyncadd.s32 @!p0 $0xFFFFD800;
	s15 =	simm.s32 @!p0 $0x280  }
0x9e: {  	[spmem:s2] =	stream.indirect.scatter.add.f32 @!p0 [tilespmem:s16], [sflag:$0xA], $0x80, s15, s14, $0xb8;
	[tilespmem:$0x1E000] =	vst v63  }
0x9f: {  	s14 =	simm.s32 @!p0 $0xC  }
0xa0: {  	_ =	swait.ge @!p0 [sflag:s14], $0x2800  }
0xa1: {  	[sflag:s14] =	ssyncset.done @!p0 $0x0  }
0xa2: {  	s15 =	simm.s32 @!p0 $0x180;
	[sflag:s14] =	ssyncadd.s32 @!p0 $0xFFFFD800;
	s14 =	simm.s32 @!p0 $0x0  }
0xa3: {  	[tilespmem:s15], [sflag:$0x4] =	stream.linear.gather @!p0 [hbm4b:s18+s14], $0x50, $0x38;
	[tilespmem:$0x1E000] =	vst v63  }
0xa4: {  	s12 =	sadd.s32 $0x1, s12;
	s15 =	simm.s32 @!p0 $0x380  }
0xa5: {  	[tilespmem:s15], [sflag:$0x4] =	stream.linear.gather @!p0 [hbm4b:s17+s14], $0x50, $0x38;
	[tilespmem:$0x1E000] =	vst v63  }
0xa6: {  	p0 =	sne.s32 s12, $0x7B  }
.Ltmp0:
0xa7: {  	_ = 	snop;
	(pc) =	sbr.rel @p0 .LBB2_2-.Ltmp0, $2  }
0xa8: {  	_ =	sdelay $0x2  }
0xa9: {  	s18 =	sadd.s32 $0xA, s18;
	s17 =	sadd.s32 $0xA, s17  }
0xaa: {  	_ =	swait.ge [sflag:s5], $0x2800  }
0xab: {  	[sflag:s5] =	ssyncset.done $0x0  }
0xac: {  	s12 =	simm.s32 $0x7C00;
	[sflag:s5] =	ssyncadd.s32 $0xFFFFD800  }
0xad: {  	[spmem:s2] =	stream.indirect.scatter.add.f32 [tilespmem:s12], [sflag:$0xC], $0x80, s30, s25, $0xb8;
	[tilespmem:$0x1E000] =	vst v63  }
0xae: {  	_ =	swait.ge [sflag:s7], $0x2800  }
0xaf: {  	[sflag:s7] =	ssyncset.done $0x0  }
0xb0: {  	[sflag:s7] =	ssyncadd.s32 $0xFFFFD800  }
0xb1: {  	_ =	swait.ge [sflag:s24], $0x50  }
0xb2: {  	[sflag:s24] =	ssyncset.done $0x0  }
0xb3: {  	[sflag:s24] =	ssyncadd.s32 $0xFFFFFFB0  }
0xb4: {  	_ =	swait.ge [sflag:s24], $0x50  }
0xb5: {  	[sflag:s24] =	ssyncset.done $0x0  }
0xb6: {  	[sflag:s24] =	ssyncadd.s32 $0xFFFFFFB0  }
0xb7: {  	[tilespmem:s26], [sflag:$0x5] =	stream.indirect.gather [hbm4b:s1+s25], $0x80, s4, s25, $0xb8;
	[tilespmem:$0x1E000] =	vst v63  }
0xb8: {  	_ =	swait.ge [sflag:s28], $0x2800  }
0xb9: {  	[sflag:s28] =	ssyncset.done $0x0  }
0xba: {  	[sflag:s28] =	ssyncadd.s32 $0xFFFFD800  }
0xbb: {  	[spmem:s2] =	stream.indirect.scatter.add.f32 [tilespmem:s26], [sflag:$0x9], $0x80, s21, s25, $0xb8;
	[tilespmem:$0x1E000] =	vst v63  }
0xbc: {  	_ =	swait.ge [sflag:s8], $0x2800  }
0xbd: {  	[sflag:s8] =	ssyncset.done $0x0  }
0xbe: {  	[sflag:s8] =	ssyncadd.s32 $0xFFFFD800  }
0xbf: {  	_ =	swait.ge [sflag:s9], $0x2800  }
0xc0: {  	[sflag:s9] =	ssyncset.done $0x0  }
0xc1: {  	[sflag:s9] =	ssyncadd.s32 $0xFFFFD800  }
0xc2: {  	_ =	swait.ge [sflag:s10], $0x2800  }
0xc3: {  	[sflag:s10] =	ssyncset.done $0x0  }
0xc4: {  	[sflag:s10] =	ssyncadd.s32 $0xFFFFD800  }
0xc5: {  	[bflag:$0x0] =	sbarrier.arrive $0xFFFF  }
0xc6: {  	s22 =	rddreg [dreg:$0xd]  }
0xc7: {  	[hbm:s22], [sflag:s6] =	dma.local [spmem:s19], $0x2780  }
0xc8: {  	_ =	swait.ge [sflag:s20], $0x2780  }
0xc9: {  	s11 =	sadd.s32 $0x1, s11;
	s23 =	rddreg [dreg:$0xe]  }
0xca: {  	p0 =	sne.s32 s11, s23  }
.Ltmp1:
0xcb: {  	_ = 	snop;
	(pc) =	sbr.rel @p0 .LBB2_1-.Ltmp1, $3  }
0xcc: {  	_ =	sdelay $0x1  }
0xcd: {  	[sflag:s20] =	ssyncset.done $0x0  }
0xce: {  	[sflag:s20] =	ssyncadd.s32 $0xFFFFD880  }
0xcf: {  	_ =	sfence.sel $0x180000  }
0xd0: {  	[bflag:$0x0] =	sbarrier.arrive $0xFFFF  }
0xd1: {  	_ =	strace $0x90000047  }
0xd2: {  	s0 =	stileid.u32;
	[bflag:$0x2] =	sbarrier.arrive $0xFFFF  }
0xd3: {  	p0 =	sne.s32 s0, $0x0;
	s0 =	rddreg [dreg:$0x3]  }
0xd4: {  	s0 =	sadd.s32 @!p0 $0x100000, s0  }
0xd5: {  	[sflag:s0] =	ssyncadd.tile.s32 @!p0 $0x1;
	_ =	shalt  }
.Lfunc_end2:
_tile_overlayer_lowered:
.L_overlay_start_2:
0xd6: {  	(tag) =	ssettag $0x2  }
0xd7: {  	s0 =	rddreg [dreg:$0x0];
	s2 =	stileid.u32  }
0xd8: {  	s1 =	rddreg [dreg:$0x1];
	p0 =	sne.s32 s2, $0x0  }
0xd9: {  	s3 =	rddreg [dreg:$0x2];
	[bflag:$0x3] =	sbarrier.arrive $0xFFFF;
	s2 =	simm.s32 @!p0 $0x1C0D  }
0xda: {  	[timem:s3], [sflag:s2] =	dma.local @!p0 [hbm:s0], s1  }
0xdb: {  	s0 =	simm.s32 @!p0 $0xD  }
0xdc: {  	_ =	swait.ge @!p0 [sflag:s0], s1  }
0xdd: {  	s1 =	ssub.s32 @!p0 $0x0, s1;
	[sflag:s0] =	ssyncset.done @!p0 $0x0  }
0xde: {  	[sflag:s0] =	ssyncadd.s32 @!p0 s1  }
0xdf: {  	[bflag:$0x3] =	sbarrier.arrive $0xFFFF  }
0xe0: {  	_ =	shalt  }

</sc_bundles>
